<compile_context>
chip_gen: v7x
topology: tpu7x:2x2x1
jax: 0.10.2.dev20260603
libtpu: 0.0.44.dev20260713+nightly
codegen_flags: <defaults>
</compile_context>

<pallas_src>
import functools

import jax
import jax.numpy as jnp
from jax import lax
from jax.experimental import pallas as pl
from jax.experimental.pallas import tpu as pltpu
from jax.experimental.pallas import tpu_sc as plsc

N_ROWS = 1_000_000
EMBED_DIM = 32
BATCH = 16384

NC, NS, L = 2, 16, 16
NW = NC * NS
B_PER_W = BATCH // NW
PASS_ROWS = 256
NPASS = B_PER_W // PASS_ROWS

_mesh = plsc.VectorSubcoreMesh(core_axis_name="c", subcore_axis_name="s")


@functools.partial(
    pl.kernel,
    mesh=_mesh,
    out_type=jax.ShapeDtypeStruct((BATCH, EMBED_DIM), jnp.float32),
    scratch_types=[
        pltpu.VMEM((B_PER_W,), jnp.int32),
        pltpu.VMEM((B_PER_W,), jnp.int32),
        pltpu.VMEM((PASS_ROWS, EMBED_DIM), jnp.float32),
        pltpu.VMEM((PASS_ROWS, EMBED_DIM), jnp.float32),
        pltpu.SemaphoreType.DMA,
        pltpu.SemaphoreType.DMA,
    ],
)
def _gmf(user_idx_hbm, item_idx_hbm, user_embed_hbm, item_embed_hbm,
         out_hbm, idx_uv, idx_iv, rows_u, rows_i, sem_u, sem_i):
    wid = lax.axis_index("s") * NC + lax.axis_index("c")
    base = wid * B_PER_W

    pltpu.sync_copy(user_idx_hbm.at[pl.ds(base, B_PER_W)], idx_uv)
    pltpu.sync_copy(item_idx_hbm.at[pl.ds(base, B_PER_W)], idx_iv)

    for p in range(NPASS):
        off = p * PASS_ROWS

        def fire(k, _):
            uvec = idx_uv[pl.ds(off + k * L, L)]
            ivec = idx_iv[pl.ds(off + k * L, L)]
            for j in range(L):
                pltpu.async_copy(user_embed_hbm.at[pl.ds(uvec[j], 1), :],
                                 rows_u.at[pl.ds(k * L + j, 1), :], sem_u)
                pltpu.async_copy(item_embed_hbm.at[pl.ds(ivec[j], 1), :],
                                 rows_i.at[pl.ds(k * L + j, 1), :], sem_i)
            return 0

        lax.fori_loop(0, PASS_ROWS // L, fire, 0)

        pltpu.make_async_copy(
            user_embed_hbm.at[pl.ds(0, PASS_ROWS), :], rows_u, sem_u).wait()
        pltpu.make_async_copy(
            item_embed_hbm.at[pl.ds(0, PASS_ROWS), :], rows_i, sem_i).wait()

        def mul(r, _):
            a0 = rows_u[r, pl.ds(0, L)]
            b0 = rows_i[r, pl.ds(0, L)]
            rows_u[r, pl.ds(0, L)] = a0 * b0
            a1 = rows_u[r, pl.ds(L, L)]
            b1 = rows_i[r, pl.ds(L, L)]
            rows_u[r, pl.ds(L, L)] = a1 * b1
            return 0

        lax.fori_loop(0, PASS_ROWS, mul, 0)

        pltpu.sync_copy(rows_u, out_hbm.at[pl.ds(base + off, PASS_ROWS), :])


def kernel(user_idx, item_idx, user_embed, item_embed):
    return _gmf(user_idx, item_idx, user_embed, item_embed)

# --- scband reference (transcript-rebuilt; emitter-appended) ---
"""Pipeline reference for scband-gmf-37589553774636 (READ-ONLY COPY).

The authoritative reference and input builder live on the scoring server;
editing this copy changes nothing except your own understanding.
"""

import jax, jax.numpy as jnp
import numpy as np

N_USERS = 1000000
N_ITEMS = 1000000
EMBED_DIM = 32
BATCH = 16384


def setup_inputs(seed: int = 0) -> dict:
    key = jax.random.key(seed)
    k1, k2, k3, k4 = jax.random.split(key, 4)
    user_idx = jax.random.randint(k1, (BATCH,), 0, N_USERS, dtype=jnp.int64 if jax.config.jax_enable_x64 else jnp.int32)
    item_idx = jax.random.randint(k2, (BATCH,), 0, N_ITEMS, dtype=jnp.int64 if jax.config.jax_enable_x64 else jnp.int32)
    user_embed = jax.random.normal(k3, (N_USERS, EMBED_DIM), dtype=jnp.float32) * 0.1
    item_embed = jax.random.normal(k4, (N_ITEMS, EMBED_DIM), dtype=jnp.float32) * 0.1
    return {"user_idx": user_idx, "item_idx": item_idx, "user_embed": user_embed, "item_embed": item_embed}


def reference(user_idx, item_idx, user_embed, item_embed):
    # GMF forward: gather user and item embeddings, elementwise product
    u = jnp.take(user_embed, user_idx, axis=0)
    i = jnp.take(item_embed, item_idx, axis=0)
    return u * i

if __name__ == "__main__":
    import jax
    _d = setup_inputs()
    print(jax.jit(kernel)(*tuple(_d.values())))

</pallas_src>

<mosaic_0001>
#map = affine_map<(d0, d1) -> (0)>
#map1 = affine_map<(d0, d1) -> (0, 0)>
module attributes {stable_mosaic.version = 14 : i64} {
  func.func @_gmf(%arg0: i32, %arg1: i32, %arg2: memref<16384xi32, #tpu.memory_space<hbm>>, %arg3: memref<16384xi32, #tpu.memory_space<hbm>>, %arg4: memref<1000000x32xf32, #tpu.memory_space<hbm>>, %arg5: memref<1000000x32xf32, #tpu.memory_space<hbm>>, %arg6: memref<16384x32xf32, #tpu.memory_space<hbm>>, %arg7: memref<512xi32, #tpu.memory_space<vmem>>, %arg8: memref<512xi32, #tpu.memory_space<vmem>>, %arg9: memref<256x32xf32, #tpu.memory_space<vmem>>, %arg10: memref<256x32xf32, #tpu.memory_space<vmem>>, %arg11: memref<!tpu.dma_semaphore, #tpu.memory_space<semaphore_mem>>, %arg12: memref<!tpu.dma_semaphore, #tpu.memory_space<semaphore_mem>>) attributes {dimension_semantics = [#tpu.dimension_semantics<core_parallel>, #tpu.dimension_semantics<subcore_parallel>], iteration_bounds = array<i64: 2, 16>, scalar_prefetch = 0 : i64, scratch_operands = 6 : i64, tpu.core_type = #tpu.core_type<sc_vector_subcore>, window_params = [{transform_indices = #map}, {transform_indices = #map}, {transform_indices = #map1}, {transform_indices = #map1}, {transform_indices = #map1}]} {
    %mul3A = arith.constant 2 : i32
    %mul3A_0 = arith.muli %arg1, %mul3A : i32
    %add3A = arith.addi %mul3A_0, %arg0 : i32
    %mul3A_1 = arith.constant 512 : i32
    %mul3A_2 = arith.muli %add3A, %mul3A_1 : i32
    "tpu.region"() ({
      %run_scoped3A = tpu.sem_alloc : memref<!tpu.dma_semaphore, #tpu.memory_space<semaphore_mem>>
      %dma_start3A = tpu.memref_slice %arg2[%mul3A_2] : memref<16384xi32, #tpu.memory_space<hbm>> -> memref<512xi32, #tpu.memory_space<hbm>>
      %dma_start3A_57 = tpu.memref_slice %arg2[%mul3A_2] : memref<16384xi32, #tpu.memory_space<hbm>> -> memref<512xi32, #tpu.memory_space<hbm>>
      tpu.enqueue_dma source(%dma_start3A_57 : memref<512xi32, #tpu.memory_space<hbm>>) target(%arg7 : memref<512xi32, #tpu.memory_space<vmem>>) target_semaphore(%run_scoped3A : memref<!tpu.dma_semaphore, #tpu.memory_space<semaphore_mem>>)
      %dma_wait3A_58 = tpu.memref_slice %arg2[%mul3A_2] : memref<16384xi32, #tpu.memory_space<hbm>> -> memref<512xi32, #tpu.memory_space<hbm>>
      %dma_wait3A_59 = tpu.memref_slice %arg2[%mul3A_2] : memref<16384xi32, #tpu.memory_space<hbm>> -> memref<512xi32, #tpu.memory_space<hbm>>
      tpu.wait_dma2 semaphore(%run_scoped3A : memref<!tpu.dma_semaphore, #tpu.memory_space<semaphore_mem>>) src(%dma_wait3A_59 : memref<512xi32, #tpu.memory_space<hbm>>) dst(%arg7 : memref<512xi32, #tpu.memory_space<vmem>>)
      tpu.yield
    }) : () -> ()
    "tpu.region"() ({
      %run_scoped3A = tpu.sem_alloc : memref<!tpu.dma_semaphore, #tpu.memory_space<semaphore_mem>>
      %dma_start3A = tpu.memref_slice %arg3[%mul3A_2] : memref<16384xi32, #tpu.memory_space<hbm>> -> memref<512xi32, #tpu.memory_space<hbm>>
      %dma_start3A_57 = tpu.memref_slice %arg3[%mul3A_2] : memref<16384xi32, #tpu.memory_space<hbm>> -> memref<512xi32, #tpu.memory_space<hbm>>
      tpu.enqueue_dma source(%dma_start3A_57 : memref<512xi32, #tpu.memory_space<hbm>>) target(%arg8 : memref<512xi32, #tpu.memory_space<vmem>>) target_semaphore(%run_scoped3A : memref<!tpu.dma_semaphore, #tpu.memory_space<semaphore_mem>>)
      %dma_wait3A_58 = tpu.memref_slice %arg3[%mul3A_2] : memref<16384xi32, #tpu.memory_space<hbm>> -> memref<512xi32, #tpu.memory_space<hbm>>
      %dma_wait3A_59 = tpu.memref_slice %arg3[%mul3A_2] : memref<16384xi32, #tpu.memory_space<hbm>> -> memref<512xi32, #tpu.memory_space<hbm>>
      tpu.wait_dma2 semaphore(%run_scoped3A : memref<!tpu.dma_semaphore, #tpu.memory_space<semaphore_mem>>) src(%dma_wait3A_59 : memref<512xi32, #tpu.memory_space<hbm>>) dst(%arg8 : memref<512xi32, #tpu.memory_space<vmem>>)
      tpu.yield
    }) : () -> ()
    %scan3A = arith.constant 0 : i32
    %scan3A_3 = arith.constant 0 : i32
    %scan3A_4 = arith.constant 16 : i32
    %scan3A_5 = arith.addi %scan3A_3, %scan3A_4 : i32
    %scan3A_6 = arith.constant 1 : i32
    %scan3A_7 = scf.for %scan3A_57 = %scan3A_3 to %scan3A_5 step %scan3A_6 iter_args(%scan3A_58 = %scan3A) -> (i32)  : i32 {
      %mul3A_59 = arith.constant 16 : i32
      %mul3A_60 = arith.muli %scan3A_57, %mul3A_59 : i32
      %add3A_61 = arith.constant 0 : i32
      %add3A_62 = arith.addi %add3A_61, %mul3A_60 : i32
      %get3A = arith.index_cast %add3A_62 : i32 to index
      %get3A_63 = tpu.vector_load %arg7[%get3A] {strides = array<i32>} : memref<512xi32, #tpu.memory_space<vmem>>, vector<16xi32>,
      %get3A_64 = vector.shape_cast %get3A_63 : vector<16xi32> to vector<16xi32>
      %mul3A_65 = arith.constant 16 : i32
      %mul3A_66 = arith.muli %scan3A_57, %mul3A_65 : i32
      %add3A_67 = arith.constant 0 : i32
      %add3A_68 = arith.addi %add3A_67, %mul3A_66 : i32
      %get3A_69 = arith.index_cast %add3A_68 : i32 to index
      %get3A_70 = tpu.vector_load %arg8[%get3A_69] {strides = array<i32>} : memref<512xi32, #tpu.memory_space<vmem>>, vector<16xi32>,
      %get3A_71 = vector.shape_cast %get3A_70 : vector<16xi32> to vector<16xi32>
      %slice3A = vector.extract_strided_slice %get3A_64 {offsets = [0], sizes = [1], strides = [1]} : vector<16xi32> to vector<1xi32>
      %squeeze3A = vector.extract %slice3A[0] : i32 from vector<1xi32>
      %mul3A_72 = arith.constant 16 : i32
      %mul3A_73 = arith.muli %scan3A_57, %mul3A_72 : i32
      %add3A_74 = arith.constant 0 : i32
      %add3A_75 = arith.addi %mul3A_73, %add3A_74 : i32
      %dma_start3A = arith.constant 0 : i32
      %dma_start3A_76 = tpu.memref_slice %arg9[%add3A_75, %dma_start3A] : memref<256x32xf32, #tpu.memory_space<vmem>> -> memref<1x32xf32, #tpu.memory_space<vmem>>
      %dma_start3A_77 = arith.constant 0 : i32
      %dma_start3A_78 = tpu.memref_slice %arg4[%squeeze3A, %dma_start3A_77] : memref<1000000x32xf32, #tpu.memory_space<hbm>> -> memref<1x32xf32, #tpu.memory_space<hbm>>
      %dma_start3A_79 = arith.constant 0 : i32
      %dma_start3A_80 = tpu.memref_slice %arg9[%add3A_75, %dma_start3A_79] : memref<256x32xf32, #tpu.memory_space<vmem>> -> memref<1x32xf32, #tpu.memory_space<vmem>>
      %dma_start3A_81 = arith.constant 0 : i32
      %dma_start3A_82 = tpu.memref_slice %arg4[%squeeze3A, %dma_start3A_81] : memref<1000000x32xf32, #tpu.memory_space<hbm>> -> memref<1x32xf32, #tpu.memory_space<hbm>>
      tpu.enqueue_dma source(%dma_start3A_82 : memref<1x32xf32, #tpu.memory_space<hbm>>) target(%dma_start3A_80 : memref<1x32xf32, #tpu.memory_space<vmem>>) target_semaphore(%arg11 : memref<!tpu.dma_semaphore, #tpu.memory_space<semaphore_mem>>)
      %slice3A_83 = vector.extract_strided_slice %get3A_71 {offsets = [0], sizes = [1], strides = [1]} : vector<16xi32> to vector<1xi32>
      %squeeze3A_84 = vector.extract %slice3A_83[0] : i32 from vector<1xi32>
      %mul3A_85 = arith.constant 16 : i32
      %mul3A_86 = arith.muli %scan3A_57, %mul3A_85 : i32
      %add3A_87 = arith.constant 0 : i32
      %add3A_88 = arith.addi %mul3A_86, %add3A_87 : i32
      %dma_start3A_89 = arith.constant 0 : i32
      %dma_start3A_90 = tpu.memref_slice %arg10[%add3A_88, %dma_start3A_89] : memref<256x32xf32, #tpu.memory_space<vmem>> -> memref<1x32xf32, #tpu.memory_space<vmem>>
      %dma_start3A_91 = arith.constant 0 : i32
      %dma_start3A_92 = tpu.memref_slice %arg5[%squeeze3A_84, %dma_start3A_91] : memref<1000000x32xf32, #tpu.memory_space<hbm>> -> memref<1x32xf32, #tpu.memory_space<hbm>>
      %dma_start3A_93 = arith.constant 0 : i32
      %dma_start3A_94 = tpu.memref_slice %arg10[%add3A_88, %dma_start3A_93] : memref<256x32xf32, #tpu.memory_space<vmem>> -> memref<1x32xf32, #tpu.memory_space<vmem>>
      %dma_start3A_95 = arith.constant 0 : i32
      %dma_start3A_96 = tpu.memref_slice %arg5[%squeeze3A_84, %dma_start3A_95] : memref<1000000x32xf32, #tpu.memory_space<hbm>> -> memref<1x32xf32, #tpu.memory_space<hbm>>
      tpu.enqueue_dma source(%dma_start3A_96 : memref<1x32xf32, #tpu.memory_space<hbm>>) target(%dma_start3A_94 : memref<1x32xf32, #tpu.memory_space<vmem>>) target_semaphore(%arg12 : memref<!tpu.dma_semaphore, #tpu.memory_space<semaphore_mem>>)
      %slice3A_97 = vector.extract_strided_slice %get3A_64 {offsets = [1], sizes = [1], strides = [1]} : vector<16xi32> to vector<1xi32>
      %squeeze3A_98 = vector.extract %slice3A_97[0] : i32 from vector<1xi32>
      %mul3A_99 = arith.constant 16 : i32
      %mul3A_100 = arith.muli %scan3A_57, %mul3A_99 : i32
      %add3A_101 = arith.constant 1 : i32
      %add3A_102 = arith.addi %mul3A_100, %add3A_101 : i32
      %dma_start3A_103 = arith.constant 0 : i32
      %dma_start3A_104 = tpu.memref_slice %arg9[%add3A_102, %dma_start3A_103] : memref<256x32xf32, #tpu.memory_space<vmem>> -> memref<1x32xf32, #tpu.memory_space<vmem>>
      %dma_start3A_105 = arith.constant 0 : i32
      %dma_start3A_106 = tpu.memref_slice %arg4[%squeeze3A_98, %dma_start3A_105] : memref<1000000x32xf32, #tpu.memory_space<hbm>> -> memref<1x32xf32, #tpu.memory_space<hbm>>
      %dma_start3A_107 = arith.constant 0 : i32
      %dma_start3A_108 = tpu.memref_slice %arg9[%add3A_102, %dma_start3A_107] : memref<256x32xf32, #tpu.memory_space<vmem>> -> memref<1x32xf32, #tpu.memory_space<vmem>>
      %dma_start3A_109 = arith.constant 0 : i32
      %dma_start3A_110 = tpu.memref_slice %arg4[%squeeze3A_98, %dma_start3A_109] : memref<1000000x32xf32, #tpu.memory_space<hbm>> -> memref<1x32xf32, #tpu.memory_space<hbm>>
      tpu.enqueue_dma source(%dma_start3A_110 : memref<1x32xf32, #tpu.memory_space<hbm>>) target(%dma_start3A_108 : memref<1x32xf32, #tpu.memory_space<vmem>>) target_semaphore(%arg11 : memref<!tpu.dma_semaphore, #tpu.memory_space<semaphore_mem>>)
      %slice3A_111 = vector.extract_strided_slice %get3A_71 {offsets = [1], sizes = [1], strides = [1]} : vector<16xi32> to vector<1xi32>
      %squeeze3A_112 = vector.extract %slice3A_111[0] : i32 from vector<1xi32>
      %mul3A_113 = arith.constant 16 : i32
      %mul3A_114 = arith.muli %scan3A_57, %mul3A_113 : i32
      %add3A_115 = arith.constant 1 : i32
      %add3A_116 = arith.addi %mul3A_114, %add3A_115 : i32
      %dma_start3A_117 = arith.constant 0 : i32
      %dma_start3A_118 = tpu.memref_slice %arg10[%add3A_116, %dma_start3A_117] : memref<256x32xf32, #tpu.memory_space<vmem>> -> memref<1x32xf32, #tpu.memory_space<vmem>>
      %dma_start3A_119 = arith.constant 0 : i32
      %dma_start3A_120 = tpu.memref_slice %arg5[%squeeze3A_112, %dma_start3A_119] : memref<1000000x32xf32, #tpu.memory_space<hbm>> -> memref<1x32xf32, #tpu.memory_space<hbm>>
      %dma_start3A_121 = arith.constant 0 : i32
      %dma_start3A_122 = tpu.memref_slice %arg10[%add3A_116, %dma_start3A_121] : memref<256x32xf32, #tpu.memory_space<vmem>> -> memref<1x32xf32, #tpu.memory_space<vmem>>
      %dma_start3A_123 = arith.constant 0 : i32
      %dma_start3A_124 = tpu.memref_slice %arg5[%squeeze3A_112, %dma_start3A_123] : memref<1000000x32xf32, #tpu.memory_space<hbm>> -> memref<1x32xf32, #tpu.memory_space<hbm>>
      tpu.enqueue_dma source(%dma_start3A_124 : memref<1x32xf32, #tpu.memory_space<hbm>>) target(%dma_start3A_122 : memref<1x32xf32, #tpu.memory_space<vmem>>) target_semaphore(%arg12 : memref<!tpu.dma_semaphore, #tpu.memory_space<semaphore_mem>>)
      %slice3A_125 = vector.extract_strided_slice %get3A_64 {offsets = [2], sizes = [1], strides = [1]} : vector<16xi32> to vector<1xi32>
      %squeeze3A_126 = vector.extract %slice3A_125[0] : i32 from vector<1xi32>
      %mul3A_127 = arith.constant 16 : i32
      %mul3A_128 = arith.muli %scan3A_57, %mul3A_127 : i32
      %add3A_129 = arith.constant 2 : i32
      %add3A_130 = arith.addi %mul3A_128, %add3A_129 : i32
      %dma_start3A_131 = arith.constant 0 : i32
      %dma_start3A_132 = tpu.memref_slice %arg9[%add3A_130, %dma_start3A_131] : memref<256x32xf32, #tpu.memory_space<vmem>> -> memref<1x32xf32, #tpu.memory_space<vmem>>
      %dma_start3A_133 = arith.constant 0 : i32
      %dma_start3A_134 = tpu.memref_slice %arg4[%squeeze3A_126, %dma_start3A_133] : memref<1000000x32xf32, #tpu.memory_space<hbm>> -> memref<1x32xf32, #tpu.memory_space<hbm>>
      %dma_start3A_135 = arith.constant 0 : i32
      %dma_start3A_136 = tpu.memref_slice %arg9[%add3A_130, %dma_start3A_135] : memref<256x32xf32, #tpu.memory_space<vmem>> -> memref<1x32xf32, #tpu.memory_space<vmem>>
      %dma_start3A_137 = arith.constant 0 : i32
      %dma_start3A_138 = tpu.memref_slice %arg4[%squeeze3A_126, %dma_start3A_137] : memref<1000000x32xf32, #tpu.memory_space<hbm>> -> memref<1x32xf32, #tpu.memory_space<hbm>>
      tpu.enqueue_dma source(%dma_start3A_138 : memref<1x32xf32, #tpu.memory_space<hbm>>) target(%dma_start3A_136 : memref<1x32xf32, #tpu.memory_space<vmem>>) target_semaphore(%arg11 : memref<!tpu.dma_semaphore, #tpu.memory_space<semaphore_mem>>)
      %slice3A_139 = vector.extract_strided_slice %get3A_71 {offsets = [2], sizes = [1], strides = [1]} : vector<16xi32> to vector<1xi32>
      %squeeze3A_140 = vector.extract %slice3A_139[0] : i32 from vector<1xi32>
      %mul3A_141 = arith.constant 16 : i32
      %mul3A_142 = arith.muli %scan3A_57, %mul3A_141 : i32
      %add3A_143 = arith.constant 2 : i32
      %add3A_144 = arith.addi %mul3A_142, %add3A_143 : i32
      %dma_start3A_145 = arith.constant 0 : i32
      %dma_start3A_146 = tpu.memref_slice %arg10[%add3A_144, %dma_start3A_145] : memref<256x32xf32, #tpu.memory_space<vmem>> -> memref<1x32xf32, #tpu.memory_space<vmem>>
      %dma_start3A_147 = arith.constant 0 : i32
      %dma_start3A_148 = tpu.memref_slice %arg5[%squeeze3A_140, %dma_start3A_147] : memref<1000000x32xf32, #tpu.memory_space<hbm>> -> memref<1x32xf32, #tpu.memory_space<hbm>>
      %dma_start3A_149 = arith.constant 0 : i32
      %dma_start3A_150 = tpu.memref_slice %arg10[%add3A_144, %dma_start3A_149] : memref<256x32xf32, #tpu.memory_space<vmem>> -> memref<1x32xf32, #tpu.memory_space<vmem>>
      %dma_start3A_151 = arith.constant 0 : i32
      %dma_start3A_152 = tpu.memref_slice %arg5[%squeeze3A_140, %dma_start3A_151] : memref<1000000x32xf32, #tpu.memory_space<hbm>> -> memref<1x32xf32, #tpu.memory_space<hbm>>
      tpu.enqueue_dma source(%dma_start3A_152 : memref<1x32xf32, #tpu.memory_space<hbm>>) target(%dma_start3A_150 : memref<1x32xf32, #tpu.memory_space<vmem>>) target_semaphore(%arg12 : memref<!tpu.dma_semaphore, #tpu.memory_space<semaphore_mem>>)
      %slice3A_153 = vector.extract_strided_slice %get3A_64 {offsets = [3], sizes = [1], strides = [1]} : vector<16xi32> to vector<1xi32>
      %squeeze3A_154 = vector.extract %slice3A_153[0] : i32 from vector<1xi32>
      %mul3A_155 = arith.constant 16 : i32
      %mul3A_156 = arith.muli %scan3A_57, %mul3A_155 : i32
      %add3A_157 = arith.constant 3 : i32
      %add3A_158 = arith.addi %mul3A_156, %add3A_157 : i32
      %dma_start3A_159 = arith.constant 0 : i32
      %dma_start3A_160 = tpu.memref_slice %arg9[%add3A_158, %dma_start3A_159] : memref<256x32xf32, #tpu.memory_space<vmem>> -> memref<1x32xf32, #tpu.memory_space<vmem>>
      %dma_start3A_161 = arith.constant 0 : i32
      %dma_start3A_162 = tpu.memref_slice %arg4[%squeeze3A_154, %dma_start3A_161] : memref<1000000x32xf32, #tpu.memory_space<hbm>> -> memref<1x32xf32, #tpu.memory_space<hbm>>
      %dma_start3A_163 = arith.constant 0 : i32
      %dma_start3A_164 = tpu.memref_slice %arg9[%add3A_158, %dma_start3A_163] : memref<256x32xf32, #tpu.memory_space<vmem>> -> memref<1x32xf32, #tpu.memory_space<vmem>>
      %dma_start3A_165 = arith.constant 0 : i32
      %dma_start3A_166 = tpu.memref_slice %arg4[%squeeze3A_154, %dma_start3A_165] : memref<1000000x32xf32, #tpu.memory_space<hbm>> -> memref<1x32xf32, #tpu.memory_space<hbm>>
      tpu.enqueue_dma source(%dma_start3A_166 : memref<1x32xf32, #tpu.memory_space<hbm>>) target(%dma_start3A_164 : memref<1x32xf32, #tpu.memory_space<vmem>>) target_semaphore(%arg11 : memref<!tpu.dma_semaphore, #tpu.memory_space<semaphore_mem>>)
      %slice3A_167 = vector.extract_strided_slice %get3A_71 {offsets = [3], sizes = [1], strides = [1]} : vector<16xi32> to vector<1xi32>
      %squeeze3A_168 = vector.extract %slice3A_167[0] : i32 from vector<1xi32>
      %mul3A_169 = arith.constant 16 : i32
      %mul3A_170 = arith.muli %scan3A_57, %mul3A_169 : i32
      %add3A_171 = arith.constant 3 : i32
      %add3A_172 = arith.addi %mul3A_170, %add3A_171 : i32
      %dma_start3A_173 = arith.constant 0 : i32
      %dma_start3A_174 = tpu.memref_slice %arg10[%add3A_172, %dma_start3A_173] : memref<256x32xf32, #tpu.memory_space<vmem>> -> memref<1x32xf32, #tpu.memory_space<vmem>>
      %dma_start3A_175 = arith.constant 0 : i32
      %dma_start3A_176 = tpu.memref_slice %arg5[%squeeze3A_168, %dma_start3A_175] : memref<1000000x32xf32, #tpu.memory_space<hbm>> -> memref<1x32xf32, #tpu.memory_space<hbm>>
      %dma_start3A_177 = arith.constant 0 : i32
      %dma_start3A_178 = tpu.memref_slice %arg10[%add3A_172, %dma_start3A_177] : memref<256x32xf32, #tpu.memory_space<vmem>> -> memref<1x32xf32, #tpu.memory_space<vmem>>
      %dma_start3A_179 = arith.constant 0 : i32
      %dma_start3A_180 = tpu.memref_slice %arg5[%squeeze3A_168, %dma_start3A_179] : memref<1000000x32xf32, #tpu.memory_space<hbm>> -> memref<1x32xf32, #tpu.memory_space<hbm>>
      tpu.enqueue_dma source(%dma_start3A_180 : memref<1x32xf32, #tpu.memory_space<hbm>>) target(%dma_start3A_178 : memref<1x32xf32, #tpu.memory_space<vmem>>) target_semaphore(%arg12 : memref<!tpu.dma_semaphore, #tpu.memory_space<semaphore_mem>>)
      %slice3A_181 = vector.extract_strided_slice %get3A_64 {offsets = [4], sizes = [1], strides = [1]} : vector<16xi32> to vector<1xi32>
      %squeeze3A_182 = vector.extract %slice3A_181[0] : i32 from vector<1xi32>
      %mul3A_183 = arith.constant 16 : i32
      %mul3A_184 = arith.muli %scan3A_57, %mul3A_183 : i32
      %add3A_185 = arith.constant 4 : i32
      %add3A_186 = arith.addi %mul3A_184, %add3A_185 : i32
      %dma_start3A_187 = arith.constant 0 : i32
      %dma_start3A_188 = tpu.memref_slice %arg9[%add3A_186, %dma_start3A_187] : memref<256x32xf32, #tpu.memory_space<vmem>> -> memref<1x32xf32, #tpu.memory_space<vmem>>
      %dma_start3A_189 = arith.constant 0 : i32
      %dma_start3A_190 = tpu.memref_slice %arg4[%squeeze3A_182, %dma_start3A_189] : memref<1000000x32xf32, #tpu.memory_space<hbm>> -> memref<1x32xf32, #tpu.memory_space<hbm>>
      %dma_start3A_191 = arith.constant 0 : i32
      %dma_start3A_192 = tpu.memref_slice %arg9[%add3A_186, %dma_start3A_191] : memref<256x32xf32, #tpu.memory_space<vmem>> -> memref<1x32xf32, #tpu.memory_space<vmem>>
      %dma_start3A_193 = arith.constant 0 : i32
      %dma_start3A_194 = tpu.memref_slice %arg4[%squeeze3A_182, %dma_start3A_193] : memref<1000000x32xf32, #tpu.memory_space<hbm>> -> memref<1x32xf32, #tpu.memory_space<hbm>>
      tpu.enqueue_dma source(%dma_start3A_194 : memref<1x32xf32, #tpu.memory_space<hbm>>) target(%dma_start3A_192 : memref<1x32xf32, #tpu.memory_space<vmem>>) target_semaphore(%arg11 : memref<!tpu.dma_semaphore, #tpu.memory_space<semaphore_mem>>)
      %slice3A_195 = vector.extract_strided_slice %get3A_71 {offsets = [4], sizes = [1], strides = [1]} : vector<16xi32> to vector<1xi32>
      %squeeze3A_196 = vector.extract %slice3A_195[0] : i32 from vector<1xi32>
      %mul3A_197 = arith.constant 16 : i32
      %mul3A_198 = arith.muli %scan3A_57, %mul3A_197 : i32
      %add3A_199 = arith.constant 4 : i32
      %add3A_200 = arith.addi %mul3A_198, %add3A_199 : i32
      %dma_start3A_201 = arith.constant 0 : i32
      %dma_start3A_202 = tpu.memref_slice %arg10[%add3A_200, %dma_start3A_201] : memref<256x32xf32, #tpu.memory_space<vmem>> -> memref<1x32xf32, #tpu.memory_space<vmem>>
      %dma_start3A_203 = arith.constant 0 : i32
      %dma_start3A_204 = tpu.memref_slice %arg5[%squeeze3A_196, %dma_start3A_203] : memref<1000000x32xf32, #tpu.memory_space<hbm>> -> memref<1x32xf32, #tpu.memory_space<hbm>>
      %dma_start3A_205 = arith.constant 0 : i32
      %dma_start3A_206 = tpu.memref_slice %arg10[%add3A_200, %dma_start3A_205] : memref<256x32xf32, #tpu.memory_space<vmem>> -> memref<1x32xf32, #tpu.memory_space<vmem>>
      %dma_start3A_207 = arith.constant 0 : i32
      %dma_start3A_208 = tpu.memref_slice %arg5[%squeeze3A_196, %dma_start3A_207] : memref<1000000x32xf32, #tpu.memory_space<hbm>> -> memref<1x32xf32, #tpu.memory_space<hbm>>
      tpu.enqueue_dma source(%dma_start3A_208 : memref<1x32xf32, #tpu.memory_space<hbm>>) target(%dma_start3A_206 : memref<1x32xf32, #tpu.memory_space<vmem>>) target_semaphore(%arg12 : memref<!tpu.dma_semaphore, #tpu.memory_space<semaphore_mem>>)
      %slice3A_209 = vector.extract_strided_slice %get3A_64 {offsets = [5], sizes = [1], strides = [1]} : vector<16xi32> to vector<1xi32>
      %squeeze3A_210 = vector.extract %slice3A_209[0] : i32 from vector<1xi32>
      %mul3A_211 = arith.constant 16 : i32
      %mul3A_212 = arith.muli %scan3A_57, %mul3A_211 : i32
      %add3A_213 = arith.constant 5 : i32
      %add3A_214 = arith.addi %mul3A_212, %add3A_213 : i32
      %dma_start3A_215 = arith.constant 0 : i32
      %dma_start3A_216 = tpu.memref_slice %arg9[%add3A_214, %dma_start3A_215] : memref<256x32xf32, #tpu.memory_space<vmem>> -> memref<1x32xf32, #tpu.memory_space<vmem>>
      %dma_start3A_217 = arith.constant 0 : i32
      %dma_start3A_218 = tpu.memref_slice %arg4[%squeeze3A_210, %dma_start3A_217] : memref<1000000x32xf32, #tpu.memory_space<hbm>> -> memref<1x32xf32, #tpu.memory_space<hbm>>
      %dma_start3A_219 = arith.constant 0 : i32
      %dma_start3A_220 = tpu.memref_slice %arg9[%add3A_214, %dma_start3A_219] : memref<256x32xf32, #tpu.memory_space<vmem>> -> memref<1x32xf32, #tpu.memory_space<vmem>>
      %dma_start3A_221 = arith.constant 0 : i32
      %dma_start3A_222 = tpu.memref_slice %arg4[%squeeze3A_210, %dma_start3A_221] : memref<1000000x32xf32, #tpu.memory_space<hbm>> -> memref<1x32xf32, #tpu.memory_space<hbm>>
      tpu.enqueue_dma source(%dma_start3A_222 : memref<1x32xf32, #tpu.memory_space<hbm>>) target(%dma_start3A_220 : memref<1x32xf32, #tpu.memory_space<vmem>>) target_semaphore(%arg11 : memref<!tpu.dma_semaphore, #tpu.memory_space<semaphore_mem>>)
      %slice3A_223 = vector.extract_strided_slice %get3A_71 {offsets = [5], sizes = [1], strides = [1]} : vector<16xi32> to vector<1xi32>
      %squeeze3A_224 = vector.extract %slice3A_223[0] : i32 from vector<1xi32>
      %mul3A_225 = arith.constant 16 : i32
      %mul3A_226 = arith.muli %scan3A_57, %mul3A_225 : i32
      %add3A_227 = arith.constant 5 : i32
      %add3A_228 = arith.addi %mul3A_226, %add3A_227 : i32
      %dma_start3A_229 = arith.constant 0 : i32
      %dma_start3A_230 = tpu.memref_slice %arg10[%add3A_228, %dma_start3A_229] : memref<256x32xf32, #tpu.memory_space<vmem>> -> memref<1x32xf32, #tpu.memory_space<vmem>>
      %dma_start3A_231 = arith.constant 0 : i32
      %dma_start3A_232 = tpu.memref_slice %arg5[%squeeze3A_224, %dma_start3A_231] : memref<1000000x32xf32, #tpu.memory_space<hbm>> -> memref<1x32xf32, #tpu.memory_space<hbm>>
      %dma_start3A_233 = arith.constant 0 : i32
      %dma_start3A_234 = tpu.memref_slice %arg10[%add3A_228, %dma_start3A_233] : memref<256x32xf32, #tpu.memory_space<vmem>> -> memref<1x32xf32, #tpu.memory_space<vmem>>
      %dma_start3A_235 = arith.constant 0 : i32
      %dma_start3A_236 = tpu.memref_slice %arg5[%squeeze3A_224, %dma_start3A_235] : memref<1000000x32xf32, #tpu.memory_space<hbm>> -> memref<1x32xf32, #tpu.memory_space<hbm>>
      tpu.enqueue_dma source(%dma_start3A_236 : memref<1x32xf32, #tpu.memory_space<hbm>>) target(%dma_start3A_234 : memref<1x32xf32, #tpu.memory_space<vmem>>) target_semaphore(%arg12 : memref<!tpu.dma_semaphore, #tpu.memory_space<semaphore_mem>>)
      %slice3A_237 = vector.extract_strided_slice %get3A_64 {offsets = [6], sizes = [1], strides = [1]} : vector<16xi32> to vector<1xi32>
      %squeeze3A_238 = vector.extract %slice3A_237[0] : i32 from vector<1xi32>
      %mul3A_239 = arith.constant 16 : i32
      %mul3A_240 = arith.muli %scan3A_57, %mul3A_239 : i32
      %add3A_241 = arith.constant 6 : i32
      %add3A_242 = arith.addi %mul3A_240, %add3A_241 : i32
      %dma_start3A_243 = arith.constant 0 : i32
      %dma_start3A_244 = tpu.memref_slice %arg9[%add3A_242, %dma_start3A_243] : memref<256x32xf32, #tpu.memory_space<vmem>> -> memref<1x32xf32, #tpu.memory_space<vmem>>
      %dma_start3A_245 = arith.constant 0 : i32
      %dma_start3A_246 = tpu.memref_slice %arg4[%squeeze3A_238, %dma_start3A_245] : memref<1000000x32xf32, #tpu.memory_space<hbm>> -> memref<1x32xf32, #tpu.memory_space<hbm>>
      %dma_start3A_247 = arith.constant 0 : i32
      %dma_start3A_248 = tpu.memref_slice %arg9[%add3A_242, %dma_start3A_247] : memref<256x32xf32, #tpu.memory_space<vmem>> -> memref<1x32xf32, #tpu.memory_space<vmem>>
      %dma_start3A_249 = arith.constant 0 : i32
      %dma_start3A_250 = tpu.memref_slice %arg4[%squeeze3A_238, %dma_start3A_249] : memref<1000000x32xf32, #tpu.memory_space<hbm>> -> memref<1x32xf32, #tpu.memory_space<hbm>>
      tpu.enqueue_dma source(%dma_start3A_250 : memref<1x32xf32, #tpu.memory_space<hbm>>) target(%dma_start3A_248 : memref<1x32xf32, #tpu.memory_space<vmem>>) target_semaphore(%arg11 : memref<!tpu.dma_semaphore, #tpu.memory_space<semaphore_mem>>)
      %slice3A_251 = vector.extract_strided_slice %get3A_71 {offsets = [6], sizes = [1], strides = [1]} : vector<16xi32> to vector<1xi32>
      %squeeze3A_252 = vector.extract %slice3A_251[0] : i32 from vector<1xi32>
      %mul3A_253 = arith.constant 16 : i32
      %mul3A_254 = arith.muli %scan3A_57, %mul3A_253 : i32
      %add3A_255 = arith.constant 6 : i32
      %add3A_256 = arith.addi %mul3A_254, %add3A_255 : i32
      %dma_start3A_257 = arith.constant 0 : i32
      %dma_start3A_258 = tpu.memref_slice %arg10[%add3A_256, %dma_start3A_257] : memref<256x32xf32, #tpu.memory_space<vmem>> -> memref<1x32xf32, #tpu.memory_space<vmem>>
      %dma_start3A_259 = arith.constant 0 : i32
      %dma_start3A_260 = tpu.memref_slice %arg5[%squeeze3A_252, %dma_start3A_259] : memref<1000000x32xf32, #tpu.memory_space<hbm>> -> memref<1x32xf32, #tpu.memory_space<hbm>>
      %dma_start3A_261 = arith.constant 0 : i32
      %dma_start3A_262 = tpu.memref_slice %arg10[%add3A_256, %dma_start3A_261] : memref<256x32xf32, #tpu.memory_space<vmem>> -> memref<1x32xf32, #tpu.memory_space<vmem>>
      %dma_start3A_263 = arith.constant 0 : i32
      %dma_start3A_264 = tpu.memref_slice %arg5[%squeeze3A_252, %dma_start3A_263] : memref<1000000x32xf32, #tpu.memory_space<hbm>> -> memref<1x32xf32, #tpu.memory_space<hbm>>
      tpu.enqueue_dma source(%dma_start3A_264 : memref<1x32xf32, #tpu.memory_space<hbm>>) target(%dma_start3A_262 : memref<1x32xf32, #tpu.memory_space<vmem>>) target_semaphore(%arg12 : memref<!tpu.dma_semaphore, #tpu.memory_space<semaphore_mem>>)
      %slice3A_265 = vector.extract_strided_slice %get3A_64 {offsets = [7], sizes = [1], strides = [1]} : vector<16xi32> to vector<1xi32>
      %squeeze3A_266 = vector.extract %slice3A_265[0] : i32 from vector<1xi32>
      %mul3A_267 = arith.constant 16 : i32
      %mul3A_268 = arith.muli %scan3A_57, %mul3A_267 : i32
      %add3A_269 = arith.constant 7 : i32
      %add3A_270 = arith.addi %mul3A_268, %add3A_269 : i32
      %dma_start3A_271 = arith.constant 0 : i32
      %dma_start3A_272 = tpu.memref_slice %arg9[%add3A_270, %dma_start3A_271] : memref<256x32xf32, #tpu.memory_space<vmem>> -> memref<1x32xf32, #tpu.memory_space<vmem>>
      %dma_start3A_273 = arith.constant 0 : i32
      %dma_start3A_274 = tpu.memref_slice %arg4[%squeeze3A_266, %dma_start3A_273] : memref<1000000x32xf32, #tpu.memory_space<hbm>> -> memref<1x32xf32, #tpu.memory_space<hbm>>
      %dma_start3A_275 = arith.constant 0 : i32
      %dma_start3A_276 = tpu.memref_slice %arg9[%add3A_270, %dma_start3A_275] : memref<256x32xf32, #tpu.memory_space<vmem>> -> memref<1x32xf32, #tpu.memory_space<vmem>>
      %dma_start3A_277 = arith.constant 0 : i32
      %dma_start3A_278 = tpu.memref_slice %arg4[%squeeze3A_266, %dma_start3A_277] : memref<1000000x32xf32, #tpu.memory_space<hbm>> -> memref<1x32xf32, #tpu.memory_space<hbm>>
      tpu.enqueue_dma source(%dma_start3A_278 : memref<1x32xf32, #tpu.memory_space<hbm>>) target(%dma_start3A_276 : memref<1x32xf32, #tpu.memory_space<vmem>>) target_semaphore(%arg11 : memref<!tpu.dma_semaphore, #tpu.memory_space<semaphore_mem>>)
      %slice3A_279 = vector.extract_strided_slice %get3A_71 {offsets = [7], sizes = [1], strides = [1]} : vector<16xi32> to vector<1xi32>
      %squeeze3A_280 = vector.extract %slice3A_279[0] : i32 from vector<1xi32>
      %mul3A_281 = arith.constant 16 : i32
      %mul3A_282 = arith.muli %scan3A_57, %mul3A_281 : i32
      %add3A_283 = arith.constant 7 : i32
      %add3A_284 = arith.addi %mul3A_282, %add3A_283 : i32
      %dma_start3A_285 = arith.constant 0 : i32
      %dma_start3A_286 = tpu.memref_slice %arg10[%add3A_284, %dma_start3A_285] : memref<256x32xf32, #tpu.memory_space<vmem>> -> memref<1x32xf32, #tpu.memory_space<vmem>>
      %dma_start3A_287 = arith.constant 0 : i32
      %dma_start3A_288 = tpu.memref_slice %arg5[%squeeze3A_280, %dma_start3A_287] : memref<1000000x32xf32, #tpu.memory_space<hbm>> -> memref<1x32xf32, #tpu.memory_space<hbm>>
      %dma_start3A_289 = arith.constant 0 : i32
      %dma_start3A_290 = tpu.memref_slice %arg10[%add3A_284, %dma_start3A_289] : memref<256x32xf32, #tpu.memory_space<vmem>> -> memref<1x32xf32, #tpu.memory_space<vmem>>
      %dma_start3A_291 = arith.constant 0 : i32
      %dma_start3A_292 = tpu.memref_slice %arg5[%squeeze3A_280, %dma_start3A_291] : memref<1000000x32xf32, #tpu.memory_space<hbm>> -> memref<1x32xf32, #tpu.memory_space<hbm>>
      tpu.enqueue_dma source(%dma_start3A_292 : memref<1x32xf32, #tpu.memory_space<hbm>>) target(%dma_start3A_290 : memref<1x32xf32, #tpu.memory_space<vmem>>) target_semaphore(%arg12 : memref<!tpu.dma_semaphore, #tpu.memory_space<semaphore_mem>>)
      %slice3A_293 = vector.extract_strided_slice %get3A_64 {offsets = [8], sizes = [1], strides = [1]} : vector<16xi32> to vector<1xi32>
      %squeeze3A_294 = vector.extract %slice3A_293[0] : i32 from vector<1xi32>
      %mul3A_295 = arith.constant 16 : i32
      %mul3A_296 = arith.muli %scan3A_57, %mul3A_295 : i32
      %add3A_297 = arith.constant 8 : i32
      %add3A_298 = arith.addi %mul3A_296, %add3A_297 : i32
      %dma_start3A_299 = arith.constant 0 : i32
      %dma_start3A_300 = tpu.memref_slice %arg9[%add3A_298, %dma_start3A_299] : memref<256x32xf32, #tpu.memory_space<vmem>> -> memref<1x32xf32, #tpu.memory_space<vmem>>
      %dma_start3A_301 = arith.constant 0 : i32
      %dma_start3A_302 = tpu.memref_slice %arg4[%squeeze3A_294, %dma_start3A_301] : memref<1000000x32xf32, #tpu.memory_space<hbm>> -> memref<1x32xf32, #tpu.memory_space<hbm>>
      %dma_start3A_303 = arith.constant 0 : i32
      %dma_start3A_304 = tpu.memref_slice %arg9[%add3A_298, %dma_start3A_303] : memref<256x32xf32, #tpu.memory_space<vmem>> -> memref<1x32xf32, #tpu.memory_space<vmem>>
      %dma_start3A_305 = arith.constant 0 : i32
      %dma_start3A_306 = tpu.memref_slice %arg4[%squeeze3A_294, %dma_start3A_305] : memref<1000000x32xf32, #tpu.memory_space<hbm>> -> memref<1x32xf32, #tpu.memory_space<hbm>>
      tpu.enqueue_dma source(%dma_start3A_306 : memref<1x32xf32, #tpu.memory_space<hbm>>) target(%dma_start3A_304 : memref<1x32xf32, #tpu.memory_space<vmem>>) target_semaphore(%arg11 : memref<!tpu.dma_semaphore, #tpu.memory_space<semaphore_mem>>)
      %slice3A_307 = vector.extract_strided_slice %get3A_71 {offsets = [8], sizes = [1], strides = [1]} : vector<16xi32> to vector<1xi32>
      %squeeze3A_308 = vector.extract %slice3A_307[0] : i32 from vector<1xi32>
      %mul3A_309 = arith.constant 16 : i32
      %mul3A_310 = arith.muli %scan3A_57, %mul3A_309 : i32
      %add3A_311 = arith.constant 8 : i32
      %add3A_312 = arith.addi %mul3A_310, %add3A_311 : i32
      %dma_start3A_313 = arith.constant 0 : i32
      %dma_start3A_314 = tpu.memref_slice %arg10[%add3A_312, %dma_start3A_313] : memref<256x32xf32, #tpu.memory_space<vmem>> -> memref<1x32xf32, #tpu.memory_space<vmem>>
      %dma_start3A_315 = arith.constant 0 : i32
      %dma_start3A_316 = tpu.memref_slice %arg5[%squeeze3A_308, %dma_start3A_315] : memref<1000000x32xf32, #tpu.memory_space<hbm>> -> memref<1x32xf32, #tpu.memory_space<hbm>>
      %dma_start3A_317 = arith.constant 0 : i32
      %dma_start3A_318 = tpu.memref_slice %arg10[%add3A_312, %dma_start3A_317] : memref<256x32xf32, #tpu.memory_space<vmem>> -> memref<1x32xf32, #tpu.memory_space<vmem>>
      %dma_start3A_319 = arith.constant 0 : i32
      %dma_start3A_320 = tpu.memref_slice %arg5[%squeeze3A_308, %dma_start3A_319] : memref<1000000x32xf32, #tpu.memory_space<hbm>> -> memref<1x32xf32, #tpu.memory_space<hbm>>
      tpu.enqueue_dma source(%dma_start3A_320 : memref<1x32xf32, #tpu.memory_space<hbm>>) target(%dma_start3A_318 : memref<1x32xf32, #tpu.memory_space<vmem>>) target_semaphore(%arg12 : memref<!tpu.dma_semaphore, #tpu.memory_space<semaphore_mem>>)
      %slice3A_321 = vector.extract_strided_slice %get3A_64 {offsets = [9], sizes = [1], strides = [1]} : vector<16xi32> to vector<1xi32>
      %squeeze3A_322 = vector.extract %slice3A_321[0] : i32 from vector<1xi32>
      %mul3A_323 = arith.constant 16 : i32
      %mul3A_324 = arith.muli %scan3A_57, %mul3A_323 : i32
      %add3A_325 = arith.constant 9 : i32
      %add3A_326 = arith.addi %mul3A_324, %add3A_325 : i32
      %dma_start3A_327 = arith.constant 0 : i32
      %dma_start3A_328 = tpu.memref_slice %arg9[%add3A_326, %dma_start3A_327] : memref<256x32xf32, #tpu.memory_space<vmem>> -> memref<1x32xf32, #tpu.memory_space<vmem>>
      %dma_start3A_329 = arith.constant 0 : i32
      %dma_start3A_330 = tpu.memref_slice %arg4[%squeeze3A_322, %dma_start3A_329] : memref<1000000x32xf32, #tpu.memory_space<hbm>> -> memref<1x32xf32, #tpu.memory_space<hbm>>
      %dma_start3A_331 = arith.constant 0 : i32
      %dma_start3A_332 = tpu.memref_slice %arg9[%add3A_326, %dma_start3A_331] : memref<256x32xf32, #tpu.memory_space<vmem>> -> memref<1x32xf32, #tpu.memory_space<vmem>>
      %dma_start3A_333 = arith.constant 0 : i32
      %dma_start3A_334 = tpu.memref_slice %arg4[%squeeze3A_322, %dma_start3A_333] : memref<1000000x32xf32, #tpu.memory_space<hbm>> -> memref<1x32xf32, #tpu.memory_space<hbm>>
      tpu.enqueue_dma source(%dma_start3A_334 : memref<1x32xf32, #tpu.memory_space<hbm>>) target(%dma_start3A_332 : memref<1x32xf32, #tpu.memory_space<vmem>>) target_semaphore(%arg11 : memref<!tpu.dma_semaphore, #tpu.memory_space<semaphore_mem>>)
      %slice3A_335 = vector.extract_strided_slice %get3A_71 {offsets = [9], sizes = [1], strides = [1]} : vector<16xi32> to vector<1xi32>
      %squeeze3A_336 = vector.extract %slice3A_335[0] : i32 from vector<1xi32>
      %mul3A_337 = arith.constant 16 : i32
      %mul3A_338 = arith.muli %scan3A_57, %mul3A_337 : i32
      %add3A_339 = arith.constant 9 : i32
      %add3A_340 = arith.addi %mul3A_338, %add3A_339 : i32
      %dma_start3A_341 = arith.constant 0 : i32
      %dma_start3A_342 = tpu.memref_slice %arg10[%add3A_340, %dma_start3A_341] : memref<256x32xf32, #tpu.memory_space<vmem>> -> memref<1x32xf32, #tpu.memory_space<vmem>>
      %dma_start3A_343 = arith.constant 0 : i32
      %dma_start3A_344 = tpu.memref_slice %arg5[%squeeze3A_336, %dma_start3A_343] : memref<1000000x32xf32, #tpu.memory_space<hbm>> -> memref<1x32xf32, #tpu.memory_space<hbm>>
      %dma_start3A_345 = arith.constant 0 : i32
      %dma_start3A_346 = tpu.memref_slice %arg10[%add3A_340, %dma_start3A_345] : memref<256x32xf32, #tpu.memory_space<vmem>> -> memref<1x32xf32, #tpu.memory_space<vmem>>
      %dma_start3A_347 = arith.constant 0 : i32
      %dma_start3A_348 = tpu.memref_slice %arg5[%squeeze3A_336, %dma_start3A_347] : memref<1000000x32xf32, #tpu.memory_space<hbm>> -> memref<1x32xf32, #tpu.memory_space<hbm>>
      tpu.enqueue_dma source(%dma_start3A_348 : memref<1x32xf32, #tpu.memory_space<hbm>>) target(%dma_start3A_346 : memref<1x32xf32, #tpu.memory_space<vmem>>) target_semaphore(%arg12 : memref<!tpu.dma_semaphore, #tpu.memory_space<semaphore_mem>>)
      %slice3A_349 = vector.extract_strided_slice %get3A_64 {offsets = [10], sizes = [1], strides = [1]} : vector<16xi32> to vector<1xi32>
      %squeeze3A_350 = vector.extract %slice3A_349[0] : i32 from vector<1xi32>
      %mul3A_351 = arith.constant 16 : i32
      %mul3A_352 = arith.muli %scan3A_57, %mul3A_351 : i32
      %add3A_353 = arith.constant 10 : i32
      %add3A_354 = arith.addi %mul3A_352, %add3A_353 : i32
      %dma_start3A_355 = arith.constant 0 : i32
      %dma_start3A_356 = tpu.memref_slice %arg9[%add3A_354, %dma_start3A_355] : memref<256x32xf32, #tpu.memory_space<vmem>> -> memref<1x32xf32, #tpu.memory_space<vmem>>
      %dma_start3A_357 = arith.constant 0 : i32
      %dma_start3A_358 = tpu.memref_slice %arg4[%squeeze3A_350, %dma_start3A_357] : memref<1000000x32xf32, #tpu.memory_space<hbm>> -> memref<1x32xf32, #tpu.memory_space<hbm>>
      %dma_start3A_359 = arith.constant 0 : i32
      %dma_start3A_360 = tpu.memref_slice %arg9[%add3A_354, %dma_start3A_359] : memref<256x32xf32, #tpu.memory_space<vmem>> -> memref<1x32xf32, #tpu.memory_space<vmem>>
      %dma_start3A_361 = arith.constant 0 : i32
      %dma_start3A_362 = tpu.memref_slice %arg4[%squeeze3A_350, %dma_start3A_361] : memref<1000000x32xf32, #tpu.memory_space<hbm>> -> memref<1x32xf32, #tpu.memory_space<hbm>>
      tpu.enqueue_dma source(%dma_start3A_362 : memref<1x32xf32, #tpu.memory_space<hbm>>) target(%dma_start3A_360 : memref<1x32xf32, #tpu.memory_space<vmem>>) target_semaphore(%arg11 : memref<!tpu.dma_semaphore, #tpu.memory_space<semaphore_mem>>)
      %slice3A_363 = vector.extract_strided_slice %get3A_71 {offsets = [10], sizes = [1], strides = [1]} : vector<16xi32> to vector<1xi32>
      %squeeze3A_364 = vector.extract %slice3A_363[0] : i32 from vector<1xi32>
      %mul3A_365 = arith.constant 16 : i32
      %mul3A_366 = arith.muli %scan3A_57, %mul3A_365 : i32
      %add3A_367 = arith.constant 10 : i32
      %add3A_368 = arith.addi %mul3A_366, %add3A_367 : i32
      %dma_start3A_369 = arith.constant 0 : i32
      %dma_start3A_370 = tpu.memref_slice %arg10[%add3A_368, %dma_start3A_369] : memref<256x32xf32, #tpu.memory_space<vmem>> -> memref<1x32xf32, #tpu.memory_space<vmem>>
      %dma_start3A_371 = arith.constant 0 : i32
      %dma_start3A_372 = tpu.memref_slice %arg5[%squeeze3A_364, %dma_start3A_371] : memref<1000000x32xf32, #tpu.memory_space<hbm>> -> memref<1x32xf32, #tpu.memory_space<hbm>>
      %dma_start3A_373 = arith.constant 0 : i32
      %dma_start3A_374 = tpu.memref_slice %arg10[%add3A_368, %dma_start3A_373] : memref<256x32xf32, #tpu.memory_space<vmem>> -> memref<1x32xf32, #tpu.memory_space<vmem>>
      %dma_start3A_375 = arith.constant 0 : i32
      %dma_start3A_376 = tpu.memref_slice %arg5[%squeeze3A_364, %dma_start3A_375] : memref<1000000x32xf32, #tpu.memory_space<hbm>> -> memref<1x32xf32, #tpu.memory_space<hbm>>
      tpu.enqueue_dma source(%dma_start3A_376 : memref<1x32xf32, #tpu.memory_space<hbm>>) target(%dma_start3A_374 : memref<1x32xf32, #tpu.memory_space<vmem>>) target_semaphore(%arg12 : memref<!tpu.dma_semaphore, #tpu.memory_space<semaphore_mem>>)
      %slice3A_377 = vector.extract_strided_slice %get3A_64 {offsets = [11], sizes = [1], strides = [1]} : vector<16xi32> to vector<1xi32>
      %squeeze3A_378 = vector.extract %slice3A_377[0] : i32 from vector<1xi32>
      %mul3A_379 = arith.constant 16 : i32
      %mul3A_380 = arith.muli %scan3A_57, %mul3A_379 : i32
      %add3A_381 = arith.constant 11 : i32
      %add3A_382 = arith.addi %mul3A_380, %add3A_381 : i32
      %dma_start3A_383 = arith.constant 0 : i32
      %dma_start3A_384 = tpu.memref_slice %arg9[%add3A_382, %dma_start3A_383] : memref<256x32xf32, #tpu.memory_space<vmem>> -> memref<1x32xf32, #tpu.memory_space<vmem>>
      %dma_start3A_385 = arith.constant 0 : i32
      %dma_start3A_386 = tpu.memref_slice %arg4[%squeeze3A_378, %dma_start3A_385] : memref<1000000x32xf32, #tpu.memory_space<hbm>> -> memref<1x32xf32, #tpu.memory_space<hbm>>
      %dma_start3A_387 = arith.constant 0 : i32
      %dma_start3A_388 = tpu.memref_slice %arg9[%add3A_382, %dma_start3A_387] : memref<256x32xf32, #tpu.memory_space<vmem>> -> memref<1x32xf32, #tpu.memory_space<vmem>>
      %dma_start3A_389 = arith.constant 0 : i32
      %dma_start3A_390 = tpu.memref_slice %arg4[%squeeze3A_378, %dma_start3A_389] : memref<1000000x32xf32, #tpu.memory_space<hbm>> -> memref<1x32xf32, #tpu.memory_space<hbm>>
      tpu.enqueue_dma source(%dma_start3A_390 : memref<1x32xf32, #tpu.memory_space<hbm>>) target(%dma_start3A_388 : memref<1x32xf32, #tpu.memory_space<vmem>>) target_semaphore(%arg11 : memref<!tpu.dma_semaphore, #tpu.memory_space<semaphore_mem>>)
      %slice3A_391 = vector.extract_strided_slice %get3A_71 {offsets = [11], sizes = [1], strides = [1]} : vector<16xi32> to vector<1xi32>
      %squeeze3A_392 = vector.extract %slice3A_391[0] : i32 from vector<1xi32>
      %mul3A_393 = arith.constant 16 : i32
      %mul3A_394 = arith.muli %scan3A_57, %mul3A_393 : i32
      %add3A_395 = arith.constant 11 : i32
      %add3A_396 = arith.addi %mul3A_394, %add3A_395 : i32
      %dma_start3A_397 = arith.constant 0 : i32
      %dma_start3A_398 = tpu.memref_slice %arg10[%add3A_396, %dma_start3A_397] : memref<256x32xf32, #tpu.memory_space<vmem>> -> memref<1x32xf32, #tpu.memory_space<vmem>>
      %dma_start3A_399 = arith.constant 0 : i32
      %dma_start3A_400 = tpu.memref_slice %arg5[%squeeze3A_392, %dma_start3A_399] : memref<1000000x32xf32, #tpu.memory_space<hbm>> -> memref<1x32xf32, #tpu.memory_space<hbm>>
      %dma_start3A_401 = arith.constant 0 : i32
      %dma_start3A_402 = tpu.memref_slice %arg10[%add3A_396, %dma_start3A_401] : memref<256x32xf32, #tpu.memory_space<vmem>> -> memref<1x32xf32, #tpu.memory_space<vmem>>
      %dma_start3A_403 = arith.constant 0 : i32
      %dma_start3A_404 = tpu.memref_slice %arg5[%squeeze3A_392, %dma_start3A_403] : memref<1000000x32xf32, #tpu.memory_space<hbm>> -> memref<1x32xf32, #tpu.memory_space<hbm>>
      tpu.enqueue_dma source(%dma_start3A_404 : memref<1x32xf32, #tpu.memory_space<hbm>>) target(%dma_start3A_402 : memref<1x32xf32, #tpu.memory_space<vmem>>) target_semaphore(%arg12 : memref<!tpu.dma_semaphore, #tpu.memory_space<semaphore_mem>>)
      %slice3A_405 = vector.extract_strided_slice %get3A_64 {offsets = [12], sizes = [1], strides = [1]} : vector<16xi32> to vector<1xi32>
      %squeeze3A_406 = vector.extract %slice3A_405[0] : i32 from vector<1xi32>
      %mul3A_407 = arith.constant 16 : i32
      %mul3A_408 = arith.muli %scan3A_57, %mul3A_407 : i32
      %add3A_409 = arith.constant 12 : i32
      %add3A_410 = arith.addi %mul3A_408, %add3A_409 : i32
      %dma_start3A_411 = arith.constant 0 : i32
      %dma_start3A_412 = tpu.memref_slice %arg9[%add3A_410, %dma_start3A_411] : memref<256x32xf32, #tpu.memory_space<vmem>> -> memref<1x32xf32, #tpu.memory_space<vmem>>
      %dma_start3A_413 = arith.constant 0 : i32
      %dma_start3A_414 = tpu.memref_slice %arg4[%squeeze3A_406, %dma_start3A_413] : memref<1000000x32xf32, #tpu.memory_space<hbm>> -> memref<1x32xf32, #tpu.memory_space<hbm>>
      %dma_start3A_415 = arith.constant 0 : i32
      %dma_start3A_416 = tpu.memref_slice %arg9[%add3A_410, %dma_start3A_415] : memref<256x32xf32, #tpu.memory_space<vmem>> -> memref<1x32xf32, #tpu.memory_space<vmem>>
      %dma_start3A_417 = arith.constant 0 : i32
      %dma_start3A_418 = tpu.memref_slice %arg4[%squeeze3A_406, %dma_start3A_417] : memref<1000000x32xf32, #tpu.memory_space<hbm>> -> memref<1x32xf32, #tpu.memory_space<hbm>>
      tpu.enqueue_dma source(%dma_start3A_418 : memref<1x32xf32, #tpu.memory_space<hbm>>) target(%dma_start3A_416 : memref<1x32xf32, #tpu.memory_space<vmem>>) target_semaphore(%arg11 : memref<!tpu.dma_semaphore, #tpu.memory_space<semaphore_mem>>)
      %slice3A_419 = vector.extract_strided_slice %get3A_71 {offsets = [12], sizes = [1], strides = [1]} : vector<16xi32> to vector<1xi32>
      %squeeze3A_420 = vector.extract %slice3A_419[0] : i32 from vector<1xi32>
      %mul3A_421 = arith.constant 16 : i32
      %mul3A_422 = arith.muli %scan3A_57, %mul3A_421 : i32
      %add3A_423 = arith.constant 12 : i32
      %add3A_424 = arith.addi %mul3A_422, %add3A_423 : i32
      %dma_start3A_425 = arith.constant 0 : i32
      %dma_start3A_426 = tpu.memref_slice %arg10[%add3A_424, %dma_start3A_425] : memref<256x32xf32, #tpu.memory_space<vmem>> -> memref<1x32xf32, #tpu.memory_space<vmem>>
      %dma_start3A_427 = arith.constant 0 : i32
      %dma_start3A_428 = tpu.memref_slice %arg5[%squeeze3A_420, %dma_start3A_427] : memref<1000000x32xf32, #tpu.memory_space<hbm>> -> memref<1x32xf32, #tpu.memory_space<hbm>>
      %dma_start3A_429 = arith.constant 0 : i32
      %dma_start3A_430 = tpu.memref_slice %arg10[%add3A_424, %dma_start3A_429] : memref<256x32xf32, #tpu.memory_space<vmem>> -> memref<1x32xf32, #tpu.memory_space<vmem>>
      %dma_start3A_431 = arith.constant 0 : i32
      %dma_start3A_432 = tpu.memref_slice %arg5[%squeeze3A_420, %dma_start3A_431] : memref<1000000x32xf32, #tpu.memory_space<hbm>> -> memref<1x32xf32, #tpu.memory_space<hbm>>
      tpu.enqueue_dma source(%dma_start3A_432 : memref<1x32xf32, #tpu.memory_space<hbm>>) target(%dma_start3A_430 : memref<1x32xf32, #tpu.memory_space<vmem>>) target_semaphore(%arg12 : memref<!tpu.dma_semaphore, #tpu.memory_space<semaphore_mem>>)
      %slice3A_433 = vector.extract_strided_slice %get3A_64 {offsets = [13], sizes = [1], strides = [1]} : vector<16xi32> to vector<1xi32>
      %squeeze3A_434 = vector.extract %slice3A_433[0] : i32 from vector<1xi32>
      %mul3A_435 = arith.constant 16 : i32
      %mul3A_436 = arith.muli %scan3A_57, %mul3A_435 : i32
      %add3A_437 = arith.constant 13 : i32
      %add3A_438 = arith.addi %mul3A_436, %add3A_437 : i32
      %dma_start3A_439 = arith.constant 0 : i32
      %dma_start3A_440 = tpu.memref_slice %arg9[%add3A_438, %dma_start3A_439] : memref<256x32xf32, #tpu.memory_space<vmem>> -> memref<1x32xf32, #tpu.memory_space<vmem>>
      %dma_start3A_441 = arith.constant 0 : i32
      %dma_start3A_442 = tpu.memref_slice %arg4[%squeeze3A_434, %dma_start3A_441] : memref<1000000x32xf32, #tpu.memory_space<hbm>> -> memref<1x32xf32, #tpu.memory_space<hbm>>
      %dma_start3A_443 = arith.constant 0 : i32
      %dma_start3A_444 = tpu.memref_slice %arg9[%add3A_438, %dma_start3A_443] : memref<256x32xf32, #tpu.memory_space<vmem>> -> memref<1x32xf32, #tpu.memory_space<vmem>>
      %dma_start3A_445 = arith.constant 0 : i32
      %dma_start3A_446 = tpu.memref_slice %arg4[%squeeze3A_434, %dma_start3A_445] : memref<1000000x32xf32, #tpu.memory_space<hbm>> -> memref<1x32xf32, #tpu.memory_space<hbm>>
      tpu.enqueue_dma source(%dma_start3A_446 : memref<1x32xf32, #tpu.memory_space<hbm>>) target(%dma_start3A_444 : memref<1x32xf32, #tpu.memory_space<vmem>>) target_semaphore(%arg11 : memref<!tpu.dma_semaphore, #tpu.memory_space<semaphore_mem>>)
      %slice3A_447 = vector.extract_strided_slice %get3A_71 {offsets = [13], sizes = [1], strides = [1]} : vector<16xi32> to vector<1xi32>
      %squeeze3A_448 = vector.extract %slice3A_447[0] : i32 from vector<1xi32>
      %mul3A_449 = arith.constant 16 : i32
      %mul3A_450 = arith.muli %scan3A_57, %mul3A_449 : i32
      %add3A_451 = arith.constant 13 : i32
      %add3A_452 = arith.addi %mul3A_450, %add3A_451 : i32
      %dma_start3A_453 = arith.constant 0 : i32
      %dma_start3A_454 = tpu.memref_slice %arg10[%add3A_452, %dma_start3A_453] : memref<256x32xf32, #tpu.memory_space<vmem>> -> memref<1x32xf32, #tpu.memory_space<vmem>>
      %dma_start3A_455 = arith.constant 0 : i32
      %dma_start3A_456 = tpu.memref_slice %arg5[%squeeze3A_448, %dma_start3A_455] : memref<1000000x32xf32, #tpu.memory_space<hbm>> -> memref<1x32xf32, #tpu.memory_space<hbm>>
      %dma_start3A_457 = arith.constant 0 : i32
      %dma_start3A_458 = tpu.memref_slice %arg10[%add3A_452, %dma_start3A_457] : memref<256x32xf32, #tpu.memory_space<vmem>> -> memref<1x32xf32, #tpu.memory_space<vmem>>
      %dma_start3A_459 = arith.constant 0 : i32
      %dma_start3A_460 = tpu.memref_slice %arg5[%squeeze3A_448, %dma_start3A_459] : memref<1000000x32xf32, #tpu.memory_space<hbm>> -> memref<1x32xf32, #tpu.memory_space<hbm>>
      tpu.enqueue_dma source(%dma_start3A_460 : memref<1x32xf32, #tpu.memory_space<hbm>>) target(%dma_start3A_458 : memref<1x32xf32, #tpu.memory_space<vmem>>) target_semaphore(%arg12 : memref<!tpu.dma_semaphore, #tpu.memory_space<semaphore_mem>>)
      %slice3A_461 = vector.extract_strided_slice %get3A_64 {offsets = [14], sizes = [1], strides = [1]} : vector<16xi32> to vector<1xi32>
      %squeeze3A_462 = vector.extract %slice3A_461[0] : i32 from vector<1xi32>
      %mul3A_463 = arith.constant 16 : i32
      %mul3A_464 = arith.muli %scan3A_57, %mul3A_463 : i32
      %add3A_465 = arith.constant 14 : i32
      %add3A_466 = arith.addi %mul3A_464, %add3A_465 : i32
      %dma_start3A_467 = arith.constant 0 : i32
      %dma_start3A_468 = tpu.memref_slice %arg9[%add3A_466, %dma_start3A_467] : memref<256x32xf32, #tpu.memory_space<vmem>> -> memref<1x32xf32, #tpu.memory_space<vmem>>
      %dma_start3A_469 = arith.constant 0 : i32
      %dma_start3A_470 = tpu.memref_slice %arg4[%squeeze3A_462, %dma_start3A_469] : memref<1000000x32xf32, #tpu.memory_space<hbm>> -> memref<1x32xf32, #tpu.memory_space<hbm>>
      %dma_start3A_471 = arith.constant 0 : i32
      %dma_start3A_472 = tpu.memref_slice %arg9[%add3A_466, %dma_start3A_471] : memref<256x32xf32, #tpu.memory_space<vmem>> -> memref<1x32xf32, #tpu.memory_space<vmem>>
      %dma_start3A_473 = arith.constant 0 : i32
      %dma_start3A_474 = tpu.memref_slice %arg4[%squeeze3A_462, %dma_start3A_473] : memref<1000000x32xf32, #tpu.memory_space<hbm>> -> memref<1x32xf32, #tpu.memory_space<hbm>>
      tpu.enqueue_dma source(%dma_start3A_474 : memref<1x32xf32, #tpu.memory_space<hbm>>) target(%dma_start3A_472 : memref<1x32xf32, #tpu.memory_space<vmem>>) target_semaphore(%arg11 : memref<!tpu.dma_semaphore, #tpu.memory_space<semaphore_mem>>)
      %slice3A_475 = vector.extract_strided_slice %get3A_71 {offsets = [14], sizes = [1], strides = [1]} : vector<16xi32> to vector<1xi32>
      %squeeze3A_476 = vector.extract %slice3A_475[0] : i32 from vector<1xi32>
      %mul3A_477 = arith.constant 16 : i32
      %mul3A_478 = arith.muli %scan3A_57, %mul3A_477 : i32
      %add3A_479 = arith.constant 14 : i32
      %add3A_480 = arith.addi %mul3A_478, %add3A_479 : i32
      %dma_start3A_481 = arith.constant 0 : i32
      %dma_start3A_482 = tpu.memref_slice %arg10[%add3A_480, %dma_start3A_481] : memref<256x32xf32, #tpu.memory_space<vmem>> -> memref<1x32xf32, #tpu.memory_space<vmem>>
      %dma_start3A_483 = arith.constant 0 : i32
      %dma_start3A_484 = tpu.memref_slice %arg5[%squeeze3A_476, %dma_start3A_483] : memref<1000000x32xf32, #tpu.memory_space<hbm>> -> memref<1x32xf32, #tpu.memory_space<hbm>>
      %dma_start3A_485 = arith.constant 0 : i32
      %dma_start3A_486 = tpu.memref_slice %arg10[%add3A_480, %dma_start3A_485] : memref<256x32xf32, #tpu.memory_space<vmem>> -> memref<1x32xf32, #tpu.memory_space<vmem>>
      %dma_start3A_487 = arith.constant 0 : i32
      %dma_start3A_488 = tpu.memref_slice %arg5[%squeeze3A_476, %dma_start3A_487] : memref<1000000x32xf32, #tpu.memory_space<hbm>> -> memref<1x32xf32, #tpu.memory_space<hbm>>
      tpu.enqueue_dma source(%dma_start3A_488 : memref<1x32xf32, #tpu.memory_space<hbm>>) target(%dma_start3A_486 : memref<1x32xf32, #tpu.memory_space<vmem>>) target_semaphore(%arg12 : memref<!tpu.dma_semaphore, #tpu.memory_space<semaphore_mem>>)
      %slice3A_489 = vector.extract_strided_slice %get3A_64 {offsets = [15], sizes = [1], strides = [1]} : vector<16xi32> to vector<1xi32>
      %squeeze3A_490 = vector.extract %slice3A_489[0] : i32 from vector<1xi32>
      %mul3A_491 = arith.constant 16 : i32
      %mul3A_492 = arith.muli %scan3A_57, %mul3A_491 : i32
      %add3A_493 = arith.constant 15 : i32
      %add3A_494 = arith.addi %mul3A_492, %add3A_493 : i32
      %dma_start3A_495 = arith.constant 0 : i32
      %dma_start3A_496 = tpu.memref_slice %arg9[%add3A_494, %dma_start3A_495] : memref<256x32xf32, #tpu.memory_space<vmem>> -> memref<1x32xf32, #tpu.memory_space<vmem>>
      %dma_start3A_497 = arith.constant 0 : i32
      %dma_start3A_498 = tpu.memref_slice %arg4[%squeeze3A_490, %dma_start3A_497] : memref<1000000x32xf32, #tpu.memory_space<hbm>> -> memref<1x32xf32, #tpu.memory_space<hbm>>
      %dma_start3A_499 = arith.constant 0 : i32
      %dma_start3A_500 = tpu.memref_slice %arg9[%add3A_494, %dma_start3A_499] : memref<256x32xf32, #tpu.memory_space<vmem>> -> memref<1x32xf32, #tpu.memory_space<vmem>>
      %dma_start3A_501 = arith.constant 0 : i32
      %dma_start3A_502 = tpu.memref_slice %arg4[%squeeze3A_490, %dma_start3A_501] : memref<1000000x32xf32, #tpu.memory_space<hbm>> -> memref<1x32xf32, #tpu.memory_space<hbm>>
      tpu.enqueue_dma source(%dma_start3A_502 : memref<1x32xf32, #tpu.memory_space<hbm>>) target(%dma_start3A_500 : memref<1x32xf32, #tpu.memory_space<vmem>>) target_semaphore(%arg11 : memref<!tpu.dma_semaphore, #tpu.memory_space<semaphore_mem>>)
      %slice3A_503 = vector.extract_strided_slice %get3A_71 {offsets = [15], sizes = [1], strides = [1]} : vector<16xi32> to vector<1xi32>
      %squeeze3A_504 = vector.extract %slice3A_503[0] : i32 from vector<1xi32>
      %mul3A_505 = arith.constant 16 : i32
      %mul3A_506 = arith.muli %scan3A_57, %mul3A_505 : i32
      %add3A_507 = arith.constant 15 : i32
      %add3A_508 = arith.addi %mul3A_506, %add3A_507 : i32
      %dma_start3A_509 = arith.constant 0 : i32
      %dma_start3A_510 = tpu.memref_slice %arg10[%add3A_508, %dma_start3A_509] : memref<256x32xf32, #tpu.memory_space<vmem>> -> memref<1x32xf32, #tpu.memory_space<vmem>>
      %dma_start3A_511 = arith.constant 0 : i32
      %dma_start3A_512 = tpu.memref_slice %arg5[%squeeze3A_504, %dma_start3A_511] : memref<1000000x32xf32, #tpu.memory_space<hbm>> -> memref<1x32xf32, #tpu.memory_space<hbm>>
      %dma_start3A_513 = arith.constant 0 : i32
      %dma_start3A_514 = tpu.memref_slice %arg10[%add3A_508, %dma_start3A_513] : memref<256x32xf32, #tpu.memory_space<vmem>> -> memref<1x32xf32, #tpu.memory_space<vmem>>
      %dma_start3A_515 = arith.constant 0 : i32
      %dma_start3A_516 = tpu.memref_slice %arg5[%squeeze3A_504, %dma_start3A_515] : memref<1000000x32xf32, #tpu.memory_space<hbm>> -> memref<1x32xf32, #tpu.memory_space<hbm>>
      tpu.enqueue_dma source(%dma_start3A_516 : memref<1x32xf32, #tpu.memory_space<hbm>>) target(%dma_start3A_514 : memref<1x32xf32, #tpu.memory_space<vmem>>) target_semaphore(%arg12 : memref<!tpu.dma_semaphore, #tpu.memory_space<semaphore_mem>>)
      %scan3A_517 = arith.constant 0 : i32
      scf.yield %scan3A_517 : i32
    }
    %scan3A_8 = arith.constant 16 : i32
    %dma_wait3A = arith.constant 0 : i32
    %dma_wait3A_9 = arith.constant 0 : i32
    %dma_wait3A_10 = tpu.memref_slice %arg4[%dma_wait3A, %dma_wait3A_9] : memref<1000000x32xf32, #tpu.memory_space<hbm>> -> memref<256x32xf32, #tpu.memory_space<hbm>>
    %dma_wait3A_11 = arith.constant 0 : i32
    %dma_wait3A_12 = arith.constant 0 : i32
    %dma_wait3A_13 = tpu.memref_slice %arg4[%dma_wait3A_11, %dma_wait3A_12] : memref<1000000x32xf32, #tpu.memory_space<hbm>> -> memref<256x32xf32, #tpu.memory_space<hbm>>
    tpu.wait_dma2 semaphore(%arg11 : memref<!tpu.dma_semaphore, #tpu.memory_space<semaphore_mem>>) src(%dma_wait3A_13 : memref<256x32xf32, #tpu.memory_space<hbm>>) dst(%arg9 : memref<256x32xf32, #tpu.memory_space<vmem>>)
    %dma_wait3A_14 = arith.constant 0 : i32
    %dma_wait3A_15 = arith.constant 0 : i32
    %dma_wait3A_16 = tpu.memref_slice %arg5[%dma_wait3A_14, %dma_wait3A_15] : memref<1000000x32xf32, #tpu.memory_space<hbm>> -> memref<256x32xf32, #tpu.memory_space<hbm>>
    %dma_wait3A_17 = arith.constant 0 : i32
    %dma_wait3A_18 = arith.constant 0 : i32
    %dma_wait3A_19 = tpu.memref_slice %arg5[%dma_wait3A_17, %dma_wait3A_18] : memref<1000000x32xf32, #tpu.memory_space<hbm>> -> memref<256x32xf32, #tpu.memory_space<hbm>>
    tpu.wait_dma2 semaphore(%arg12 : memref<!tpu.dma_semaphore, #tpu.memory_space<semaphore_mem>>) src(%dma_wait3A_19 : memref<256x32xf32, #tpu.memory_space<hbm>>) dst(%arg10 : memref<256x32xf32, #tpu.memory_space<vmem>>)
    %scan3A_20 = arith.constant 0 : i32
    %scan3A_21 = arith.constant 0 : i32
    %scan3A_22 = arith.constant 256 : i32
    %scan3A_23 = arith.addi %scan3A_21, %scan3A_22 : i32
    %scan3A_24 = arith.constant 1 : i32
    %scan3A_25 = scf.for %scan3A_57 = %scan3A_21 to %scan3A_23 step %scan3A_24 iter_args(%scan3A_58 = %scan3A_20) -> (i32)  : i32 {
      %get3A = arith.index_cast %scan3A_57 : i32 to index
      %get3A_59 = arith.constant 0 : index
      %get3A_60 = tpu.vector_load %arg9[%get3A, %get3A_59] {strides = array<i32>} : memref<256x32xf32, #tpu.memory_space<vmem>>, vector<1x16xf32>,
      %get3A_61 = vector.shape_cast %get3A_60 : vector<1x16xf32> to vector<16xf32>
      %get3A_62 = arith.index_cast %scan3A_57 : i32 to index
      %get3A_63 = arith.constant 0 : index
      %get3A_64 = tpu.vector_load %arg10[%get3A_62, %get3A_63] {strides = array<i32>} : memref<256x32xf32, #tpu.memory_space<vmem>>, vector<1x16xf32>,
      %get3A_65 = vector.shape_cast %get3A_64 : vector<1x16xf32> to vector<16xf32>
      %mul3A_66 = arith.mulf %get3A_61, %get3A_65 : vector<16xf32>
      %swap3A = arith.index_cast %scan3A_57 : i32 to index
      %swap3A_67 = arith.constant 0 : index
      %swap3A_68 = tpu.vector_load %arg9[%swap3A, %swap3A_67] {strides = array<i32>} : memref<256x32xf32, #tpu.memory_space<vmem>>, vector<1x16xf32>,
      %swap3A_69 = vector.shape_cast %swap3A_68 : vector<1x16xf32> to vector<16xf32>
      %swap3A_70 = vector.shape_cast %mul3A_66 : vector<16xf32> to vector<1x16xf32>
      tpu.vector_store %arg9[%swap3A, %swap3A_67], %swap3A_70 {strides = array<i32>} : memref<256x32xf32, #tpu.memory_space<vmem>>, vector<1x16xf32>,
      %get3A_71 = arith.index_cast %scan3A_57 : i32 to index
      %get3A_72 = arith.constant 16 : index
      %get3A_73 = tpu.vector_load %arg9[%get3A_71, %get3A_72] {strides = array<i32>} : memref<256x32xf32, #tpu.memory_space<vmem>>, vector<1x16xf32>,
      %get3A_74 = vector.shape_cast %get3A_73 : vector<1x16xf32> to vector<16xf32>
      %get3A_75 = arith.index_cast %scan3A_57 : i32 to index
      %get3A_76 = arith.constant 16 : index
      %get3A_77 = tpu.vector_load %arg10[%get3A_75, %get3A_76] {strides = array<i32>} : memref<256x32xf32, #tpu.memory_space<vmem>>, vector<1x16xf32>,
      %get3A_78 = vector.shape_cast %get3A_77 : vector<1x16xf32> to vector<16xf32>
      %mul3A_79 = arith.mulf %get3A_74, %get3A_78 : vector<16xf32>
      %swap3A_80 = arith.index_cast %scan3A_57 : i32 to index
      %swap3A_81 = arith.constant 16 : index
      %swap3A_82 = tpu.vector_load %arg9[%swap3A_80, %swap3A_81] {strides = array<i32>} : memref<256x32xf32, #tpu.memory_space<vmem>>, vector<1x16xf32>,
      %swap3A_83 = vector.shape_cast %swap3A_82 : vector<1x16xf32> to vector<16xf32>
      %swap3A_84 = vector.shape_cast %mul3A_79 : vector<16xf32> to vector<1x16xf32>
      tpu.vector_store %arg9[%swap3A_80, %swap3A_81], %swap3A_84 {strides = array<i32>} : memref<256x32xf32, #tpu.memory_space<vmem>>, vector<1x16xf32>,
      %scan3A_85 = arith.constant 0 : i32
      scf.yield %scan3A_85 : i32
    }
    %scan3A_26 = arith.constant 256 : i32
    %add3A_27 = arith.constant 0 : i32
    %add3A_28 = arith.addi %mul3A_2, %add3A_27 : i32
    "tpu.region"() ({
      %run_scoped3A = tpu.sem_alloc : memref<!tpu.dma_semaphore, #tpu.memory_space<semaphore_mem>>
      %dma_start3A = arith.constant 0 : i32
      %dma_start3A_57 = tpu.memref_slice %arg6[%add3A_28, %dma_start3A] : memref<16384x32xf32, #tpu.memory_space<hbm>> -> memref<256x32xf32, #tpu.memory_space<hbm>>
      %dma_start3A_58 = arith.constant 0 : i32
      %dma_start3A_59 = tpu.memref_slice %arg6[%add3A_28, %dma_start3A_58] : memref<16384x32xf32, #tpu.memory_space<hbm>> -> memref<256x32xf32, #tpu.memory_space<hbm>>
      tpu.enqueue_dma source(%arg9 : memref<256x32xf32, #tpu.memory_space<vmem>>) target(%dma_start3A_59 : memref<256x32xf32, #tpu.memory_space<hbm>>) target_semaphore(%run_scoped3A : memref<!tpu.dma_semaphore, #tpu.memory_space<semaphore_mem>>)
      %dma_wait3A_60 = arith.constant 0 : i32
      %dma_wait3A_61 = tpu.memref_slice %arg6[%add3A_28, %dma_wait3A_60] : memref<16384x32xf32, #tpu.memory_space<hbm>> -> memref<256x32xf32, #tpu.memory_space<hbm>>
      %dma_wait3A_62 = arith.constant 0 : i32
      %dma_wait3A_63 = tpu.memref_slice %arg6[%add3A_28, %dma_wait3A_62] : memref<16384x32xf32, #tpu.memory_space<hbm>> -> memref<256x32xf32, #tpu.memory_space<hbm>>
      tpu.wait_dma2 semaphore(%run_scoped3A : memref<!tpu.dma_semaphore, #tpu.memory_space<semaphore_mem>>) src(%arg9 : memref<256x32xf32, #tpu.memory_space<vmem>>) dst(%dma_wait3A_63 : memref<256x32xf32, #tpu.memory_space<hbm>>)
      tpu.yield
    }) : () -> ()
    %scan3A_29 = arith.constant 0 : i32
    %scan3A_30 = arith.constant 0 : i32
    %scan3A_31 = arith.constant 16 : i32
    %scan3A_32 = arith.addi %scan3A_30, %scan3A_31 : i32
    %scan3A_33 = arith.constant 1 : i32
    %scan3A_34 = scf.for %scan3A_57 = %scan3A_30 to %scan3A_32 step %scan3A_33 iter_args(%scan3A_58 = %scan3A_29) -> (i32)  : i32 {
      %mul3A_59 = arith.constant 16 : i32
      %mul3A_60 = arith.muli %scan3A_57, %mul3A_59 : i32
      %add3A_61 = arith.constant 256 : i32
      %add3A_62 = arith.addi %add3A_61, %mul3A_60 : i32
      %get3A = arith.index_cast %add3A_62 : i32 to index
      %get3A_63 = tpu.vector_load %arg7[%get3A] {strides = array<i32>} : memref<512xi32, #tpu.memory_space<vmem>>, vector<16xi32>,
      %get3A_64 = vector.shape_cast %get3A_63 : vector<16xi32> to vector<16xi32>
      %mul3A_65 = arith.constant 16 : i32
      %mul3A_66 = arith.muli %scan3A_57, %mul3A_65 : i32
      %add3A_67 = arith.constant 256 : i32
      %add3A_68 = arith.addi %add3A_67, %mul3A_66 : i32
      %get3A_69 = arith.index_cast %add3A_68 : i32 to index
      %get3A_70 = tpu.vector_load %arg8[%get3A_69] {strides = array<i32>} : memref<512xi32, #tpu.memory_space<vmem>>, vector<16xi32>,
      %get3A_71 = vector.shape_cast %get3A_70 : vector<16xi32> to vector<16xi32>
      %slice3A = vector.extract_strided_slice %get3A_64 {offsets = [0], sizes = [1], strides = [1]} : vector<16xi32> to vector<1xi32>
      %squeeze3A = vector.extract %slice3A[0] : i32 from vector<1xi32>
      %mul3A_72 = arith.constant 16 : i32
      %mul3A_73 = arith.muli %scan3A_57, %mul3A_72 : i32
      %add3A_74 = arith.constant 0 : i32
      %add3A_75 = arith.addi %mul3A_73, %add3A_74 : i32
      %dma_start3A = arith.constant 0 : i32
      %dma_start3A_76 = tpu.memref_slice %arg9[%add3A_75, %dma_start3A] : memref<256x32xf32, #tpu.memory_space<vmem>> -> memref<1x32xf32, #tpu.memory_space<vmem>>
      %dma_start3A_77 = arith.constant 0 : i32
      %dma_start3A_78 = tpu.memref_slice %arg4[%squeeze3A, %dma_start3A_77] : memref<1000000x32xf32, #tpu.memory_space<hbm>> -> memref<1x32xf32, #tpu.memory_space<hbm>>
      %dma_start3A_79 = arith.constant 0 : i32
      %dma_start3A_80 = tpu.memref_slice %arg9[%add3A_75, %dma_start3A_79] : memref<256x32xf32, #tpu.memory_space<vmem>> -> memref<1x32xf32, #tpu.memory_space<vmem>>
      %dma_start3A_81 = arith.constant 0 : i32
      %dma_start3A_82 = tpu.memref_slice %arg4[%squeeze3A, %dma_start3A_81] : memref<1000000x32xf32, #tpu.memory_space<hbm>> -> memref<1x32xf32, #tpu.memory_space<hbm>>
      tpu.enqueue_dma source(%dma_start3A_82 : memref<1x32xf32, #tpu.memory_space<hbm>>) target(%dma_start3A_80 : memref<1x32xf32, #tpu.memory_space<vmem>>) target_semaphore(%arg11 : memref<!tpu.dma_semaphore, #tpu.memory_space<semaphore_mem>>)
      %slice3A_83 = vector.extract_strided_slice %get3A_71 {offsets = [0], sizes = [1], strides = [1]} : vector<16xi32> to vector<1xi32>
      %squeeze3A_84 = vector.extract %slice3A_83[0] : i32 from vector<1xi32>
      %mul3A_85 = arith.constant 16 : i32
      %mul3A_86 = arith.muli %scan3A_57, %mul3A_85 : i32
      %add3A_87 = arith.constant 0 : i32
      %add3A_88 = arith.addi %mul3A_86, %add3A_87 : i32
      %dma_start3A_89 = arith.constant 0 : i32
      %dma_start3A_90 = tpu.memref_slice %arg10[%add3A_88, %dma_start3A_89] : memref<256x32xf32, #tpu.memory_space<vmem>> -> memref<1x32xf32, #tpu.memory_space<vmem>>
      %dma_start3A_91 = arith.constant 0 : i32
      %dma_start3A_92 = tpu.memref_slice %arg5[%squeeze3A_84, %dma_start3A_91] : memref<1000000x32xf32, #tpu.memory_space<hbm>> -> memref<1x32xf32, #tpu.memory_space<hbm>>
      %dma_start3A_93 = arith.constant 0 : i32
      %dma_start3A_94 = tpu.memref_slice %arg10[%add3A_88, %dma_start3A_93] : memref<256x32xf32, #tpu.memory_space<vmem>> -> memref<1x32xf32, #tpu.memory_space<vmem>>
      %dma_start3A_95 = arith.constant 0 : i32
      %dma_start3A_96 = tpu.memref_slice %arg5[%squeeze3A_84, %dma_start3A_95] : memref<1000000x32xf32, #tpu.memory_space<hbm>> -> memref<1x32xf32, #tpu.memory_space<hbm>>
      tpu.enqueue_dma source(%dma_start3A_96 : memref<1x32xf32, #tpu.memory_space<hbm>>) target(%dma_start3A_94 : memref<1x32xf32, #tpu.memory_space<vmem>>) target_semaphore(%arg12 : memref<!tpu.dma_semaphore, #tpu.memory_space<semaphore_mem>>)
      %slice3A_97 = vector.extract_strided_slice %get3A_64 {offsets = [1], sizes = [1], strides = [1]} : vector<16xi32> to vector<1xi32>
      %squeeze3A_98 = vector.extract %slice3A_97[0] : i32 from vector<1xi32>
      %mul3A_99 = arith.constant 16 : i32
      %mul3A_100 = arith.muli %scan3A_57, %mul3A_99 : i32
      %add3A_101 = arith.constant 1 : i32
      %add3A_102 = arith.addi %mul3A_100, %add3A_101 : i32
      %dma_start3A_103 = arith.constant 0 : i32
      %dma_start3A_104 = tpu.memref_slice %arg9[%add3A_102, %dma_start3A_103] : memref<256x32xf32, #tpu.memory_space<vmem>> -> memref<1x32xf32, #tpu.memory_space<vmem>>
      %dma_start3A_105 = arith.constant 0 : i32
      %dma_start3A_106 = tpu.memref_slice %arg4[%squeeze3A_98, %dma_start3A_105] : memref<1000000x32xf32, #tpu.memory_space<hbm>> -> memref<1x32xf32, #tpu.memory_space<hbm>>
      %dma_start3A_107 = arith.constant 0 : i32
      %dma_start3A_108 = tpu.memref_slice %arg9[%add3A_102, %dma_start3A_107] : memref<256x32xf32, #tpu.memory_space<vmem>> -> memref<1x32xf32, #tpu.memory_space<vmem>>
      %dma_start3A_109 = arith.constant 0 : i32
      %dma_start3A_110 = tpu.memref_slice %arg4[%squeeze3A_98, %dma_start3A_109] : memref<1000000x32xf32, #tpu.memory_space<hbm>> -> memref<1x32xf32, #tpu.memory_space<hbm>>
      tpu.enqueue_dma source(%dma_start3A_110 : memref<1x32xf32, #tpu.memory_space<hbm>>) target(%dma_start3A_108 : memref<1x32xf32, #tpu.memory_space<vmem>>) target_semaphore(%arg11 : memref<!tpu.dma_semaphore, #tpu.memory_space<semaphore_mem>>)
      %slice3A_111 = vector.extract_strided_slice %get3A_71 {offsets = [1], sizes = [1], strides = [1]} : vector<16xi32> to vector<1xi32>
      %squeeze3A_112 = vector.extract %slice3A_111[0] : i32 from vector<1xi32>
      %mul3A_113 = arith.constant 16 : i32
      %mul3A_114 = arith.muli %scan3A_57, %mul3A_113 : i32
      %add3A_115 = arith.constant 1 : i32
      %add3A_116 = arith.addi %mul3A_114, %add3A_115 : i32
      %dma_start3A_117 = arith.constant 0 : i32
      %dma_start3A_118 = tpu.memref_slice %arg10[%add3A_116, %dma_start3A_117] : memref<256x32xf32, #tpu.memory_space<vmem>> -> memref<1x32xf32, #tpu.memory_space<vmem>>
      %dma_start3A_119 = arith.constant 0 : i32
      %dma_start3A_120 = tpu.memref_slice %arg5[%squeeze3A_112, %dma_start3A_119] : memref<1000000x32xf32, #tpu.memory_space<hbm>> -> memref<1x32xf32, #tpu.memory_space<hbm>>
      %dma_start3A_121 = arith.constant 0 : i32
      %dma_start3A_122 = tpu.memref_slice %arg10[%add3A_116, %dma_start3A_121] : memref<256x32xf32, #tpu.memory_space<vmem>> -> memref<1x32xf32, #tpu.memory_space<vmem>>
      %dma_start3A_123 = arith.constant 0 : i32
      %dma_start3A_124 = tpu.memref_slice %arg5[%squeeze3A_112, %dma_start3A_123] : memref<1000000x32xf32, #tpu.memory_space<hbm>> -> memref<1x32xf32, #tpu.memory_space<hbm>>
      tpu.enqueue_dma source(%dma_start3A_124 : memref<1x32xf32, #tpu.memory_space<hbm>>) target(%dma_start3A_122 : memref<1x32xf32, #tpu.memory_space<vmem>>) target_semaphore(%arg12 : memref<!tpu.dma_semaphore, #tpu.memory_space<semaphore_mem>>)
      %slice3A_125 = vector.extract_strided_slice %get3A_64 {offsets = [2], sizes = [1], strides = [1]} : vector<16xi32> to vector<1xi32>
      %squeeze3A_126 = vector.extract %slice3A_125[0] : i32 from vector<1xi32>
      %mul3A_127 = arith.constant 16 : i32
      %mul3A_128 = arith.muli %scan3A_57, %mul3A_127 : i32
      %add3A_129 = arith.constant 2 : i32
      %add3A_130 = arith.addi %mul3A_128, %add3A_129 : i32
      %dma_start3A_131 = arith.constant 0 : i32
      %dma_start3A_132 = tpu.memref_slice %arg9[%add3A_130, %dma_start3A_131] : memref<256x32xf32, #tpu.memory_space<vmem>> -> memref<1x32xf32, #tpu.memory_space<vmem>>
      %dma_start3A_133 = arith.constant 0 : i32
      %dma_start3A_134 = tpu.memref_slice %arg4[%squeeze3A_126, %dma_start3A_133] : memref<1000000x32xf32, #tpu.memory_space<hbm>> -> memref<1x32xf32, #tpu.memory_space<hbm>>
      %dma_start3A_135 = arith.constant 0 : i32
      %dma_start3A_136 = tpu.memref_slice %arg9[%add3A_130, %dma_start3A_135] : memref<256x32xf32, #tpu.memory_space<vmem>> -> memref<1x32xf32, #tpu.memory_space<vmem>>
      %dma_start3A_137 = arith.constant 0 : i32
      %dma_start3A_138 = tpu.memref_slice %arg4[%squeeze3A_126, %dma_start3A_137] : memref<1000000x32xf32, #tpu.memory_space<hbm>> -> memref<1x32xf32, #tpu.memory_space<hbm>>
      tpu.enqueue_dma source(%dma_start3A_138 : memref<1x32xf32, #tpu.memory_space<hbm>>) target(%dma_start3A_136 : memref<1x32xf32, #tpu.memory_space<vmem>>) target_semaphore(%arg11 : memref<!tpu.dma_semaphore, #tpu.memory_space<semaphore_mem>>)
      %slice3A_139 = vector.extract_strided_slice %get3A_71 {offsets = [2], sizes = [1], strides = [1]} : vector<16xi32> to vector<1xi32>
      %squeeze3A_140 = vector.extract %slice3A_139[0] : i32 from vector<1xi32>
      %mul3A_141 = arith.constant 16 : i32
      %mul3A_142 = arith.muli %scan3A_57, %mul3A_141 : i32
      %add3A_143 = arith.constant 2 : i32
      %add3A_144 = arith.addi %mul3A_142, %add3A_143 : i32
      %dma_start3A_145 = arith.constant 0 : i32
      %dma_start3A_146 = tpu.memref_slice %arg10[%add3A_144, %dma_start3A_145] : memref<256x32xf32, #tpu.memory_space<vmem>> -> memref<1x32xf32, #tpu.memory_space<vmem>>
      %dma_start3A_147 = arith.constant 0 : i32
      %dma_start3A_148 = tpu.memref_slice %arg5[%squeeze3A_140, %dma_start3A_147] : memref<1000000x32xf32, #tpu.memory_space<hbm>> -> memref<1x32xf32, #tpu.memory_space<hbm>>
      %dma_start3A_149 = arith.constant 0 : i32
      %dma_start3A_150 = tpu.memref_slice %arg10[%add3A_144, %dma_start3A_149] : memref<256x32xf32, #tpu.memory_space<vmem>> -> memref<1x32xf32, #tpu.memory_space<vmem>>
      %dma_start3A_151 = arith.constant 0 : i32
      %dma_start3A_152 = tpu.memref_slice %arg5[%squeeze3A_140, %dma_start3A_151] : memref<1000000x32xf32, #tpu.memory_space<hbm>> -> memref<1x32xf32, #tpu.memory_space<hbm>>
      tpu.enqueue_dma source(%dma_start3A_152 : memref<1x32xf32, #tpu.memory_space<hbm>>) target(%dma_start3A_150 : memref<1x32xf32, #tpu.memory_space<vmem>>) target_semaphore(%arg12 : memref<!tpu.dma_semaphore, #tpu.memory_space<semaphore_mem>>)
      %slice3A_153 = vector.extract_strided_slice %get3A_64 {offsets = [3], sizes = [1], strides = [1]} : vector<16xi32> to vector<1xi32>
      %squeeze3A_154 = vector.extract %slice3A_153[0] : i32 from vector<1xi32>
      %mul3A_155 = arith.constant 16 : i32
      %mul3A_156 = arith.muli %scan3A_57, %mul3A_155 : i32
      %add3A_157 = arith.constant 3 : i32
      %add3A_158 = arith.addi %mul3A_156, %add3A_157 : i32
      %dma_start3A_159 = arith.constant 0 : i32
      %dma_start3A_160 = tpu.memref_slice %arg9[%add3A_158, %dma_start3A_159] : memref<256x32xf32, #tpu.memory_space<vmem>> -> memref<1x32xf32, #tpu.memory_space<vmem>>
      %dma_start3A_161 = arith.constant 0 : i32
      %dma_start3A_162 = tpu.memref_slice %arg4[%squeeze3A_154, %dma_start3A_161] : memref<1000000x32xf32, #tpu.memory_space<hbm>> -> memref<1x32xf32, #tpu.memory_space<hbm>>
      %dma_start3A_163 = arith.constant 0 : i32
      %dma_start3A_164 = tpu.memref_slice %arg9[%add3A_158, %dma_start3A_163] : memref<256x32xf32, #tpu.memory_space<vmem>> -> memref<1x32xf32, #tpu.memory_space<vmem>>
      %dma_start3A_165 = arith.constant 0 : i32
      %dma_start3A_166 = tpu.memref_slice %arg4[%squeeze3A_154, %dma_start3A_165] : memref<1000000x32xf32, #tpu.memory_space<hbm>> -> memref<1x32xf32, #tpu.memory_space<hbm>>
      tpu.enqueue_dma source(%dma_start3A_166 : memref<1x32xf32, #tpu.memory_space<hbm>>) target(%dma_start3A_164 : memref<1x32xf32, #tpu.memory_space<vmem>>) target_semaphore(%arg11 : memref<!tpu.dma_semaphore, #tpu.memory_space<semaphore_mem>>)
      %slice3A_167 = vector.extract_strided_slice %get3A_71 {offsets = [3], sizes = [1], strides = [1]} : vector<16xi32> to vector<1xi32>
      %squeeze3A_168 = vector.extract %slice3A_167[0] : i32 from vector<1xi32>
      %mul3A_169 = arith.constant 16 : i32
      %mul3A_170 = arith.muli %scan3A_57, %mul3A_169 : i32
      %add3A_171 = arith.constant 3 : i32
      %add3A_172 = arith.addi %mul3A_170, %add3A_171 : i32
      %dma_start3A_173 = arith.constant 0 : i32
      %dma_start3A_174 = tpu.memref_slice %arg10[%add3A_172, %dma_start3A_173] : memref<256x32xf32, #tpu.memory_space<vmem>> -> memref<1x32xf32, #tpu.memory_space<vmem>>
      %dma_start3A_175 = arith.constant 0 : i32
      %dma_start3A_176 = tpu.memref_slice %arg5[%squeeze3A_168, %dma_start3A_175] : memref<1000000x32xf32, #tpu.memory_space<hbm>> -> memref<1x32xf32, #tpu.memory_space<hbm>>
      %dma_start3A_177 = arith.constant 0 : i32
      %dma_start3A_178 = tpu.memref_slice %arg10[%add3A_172, %dma_start3A_177] : memref<256x32xf32, #tpu.memory_space<vmem>> -> memref<1x32xf32, #tpu.memory_space<vmem>>
      %dma_start3A_179 = arith.constant 0 : i32
      %dma_start3A_180 = tpu.memref_slice %arg5[%squeeze3A_168, %dma_start3A_179] : memref<1000000x32xf32, #tpu.memory_space<hbm>> -> memref<1x32xf32, #tpu.memory_space<hbm>>
      tpu.enqueue_dma source(%dma_start3A_180 : memref<1x32xf32, #tpu.memory_space<hbm>>) target(%dma_start3A_178 : memref<1x32xf32, #tpu.memory_space<vmem>>) target_semaphore(%arg12 : memref<!tpu.dma_semaphore, #tpu.memory_space<semaphore_mem>>)
      %slice3A_181 = vector.extract_strided_slice %get3A_64 {offsets = [4], sizes = [1], strides = [1]} : vector<16xi32> to vector<1xi32>
      %squeeze3A_182 = vector.extract %slice3A_181[0] : i32 from vector<1xi32>
      %mul3A_183 = arith.constant 16 : i32
      %mul3A_184 = arith.muli %scan3A_57, %mul3A_183 : i32
      %add3A_185 = arith.constant 4 : i32
      %add3A_186 = arith.addi %mul3A_184, %add3A_185 : i32
      %dma_start3A_187 = arith.constant 0 : i32
      %dma_start3A_188 = tpu.memref_slice %arg9[%add3A_186, %dma_start3A_187] : memref<256x32xf32, #tpu.memory_space<vmem>> -> memref<1x32xf32, #tpu.memory_space<vmem>>
      %dma_start3A_189 = arith.constant 0 : i32
      %dma_start3A_190 = tpu.memref_slice %arg4[%squeeze3A_182, %dma_start3A_189] : memref<1000000x32xf32, #tpu.memory_space<hbm>> -> memref<1x32xf32, #tpu.memory_space<hbm>>
      %dma_start3A_191 = arith.constant 0 : i32
      %dma_start3A_192 = tpu.memref_slice %arg9[%add3A_186, %dma_start3A_191] : memref<256x32xf32, #tpu.memory_space<vmem>> -> memref<1x32xf32, #tpu.memory_space<vmem>>
      %dma_start3A_193 = arith.constant 0 : i32
      %dma_start3A_194 = tpu.memref_slice %arg4[%squeeze3A_182, %dma_start3A_193] : memref<1000000x32xf32, #tpu.memory_space<hbm>> -> memref<1x32xf32, #tpu.memory_space<hbm>>
      tpu.enqueue_dma source(%dma_start3A_194 : memref<1x32xf32, #tpu.memory_space<hbm>>) target(%dma_start3A_192 : memref<1x32xf32, #tpu.memory_space<vmem>>) target_semaphore(%arg11 : memref<!tpu.dma_semaphore, #tpu.memory_space<semaphore_mem>>)
      %slice3A_195 = vector.extract_strided_slice %get3A_71 {offsets = [4], sizes = [1], strides = [1]} : vector<16xi32> to vector<1xi32>
      %squeeze3A_196 = vector.extract %slice3A_195[0] : i32 from vector<1xi32>
      %mul3A_197 = arith.constant 16 : i32
      %mul3A_198 = arith.muli %scan3A_57, %mul3A_197 : i32
      %add3A_199 = arith.constant 4 : i32
      %add3A_200 = arith.addi %mul3A_198, %add3A_199 : i32
      %dma_start3A_201 = arith.constant 0 : i32
      %dma_start3A_202 = tpu.memref_slice %arg10[%add3A_200, %dma_start3A_201] : memref<256x32xf32, #tpu.memory_space<vmem>> -> memref<1x32xf32, #tpu.memory_space<vmem>>
      %dma_start3A_203 = arith.constant 0 : i32
      %dma_start3A_204 = tpu.memref_slice %arg5[%squeeze3A_196, %dma_start3A_203] : memref<1000000x32xf32, #tpu.memory_space<hbm>> -> memref<1x32xf32, #tpu.memory_space<hbm>>
      %dma_start3A_205 = arith.constant 0 : i32
      %dma_start3A_206 = tpu.memref_slice %arg10[%add3A_200, %dma_start3A_205] : memref<256x32xf32, #tpu.memory_space<vmem>> -> memref<1x32xf32, #tpu.memory_space<vmem>>
      %dma_start3A_207 = arith.constant 0 : i32
      %dma_start3A_208 = tpu.memref_slice %arg5[%squeeze3A_196, %dma_start3A_207] : memref<1000000x32xf32, #tpu.memory_space<hbm>> -> memref<1x32xf32, #tpu.memory_space<hbm>>
      tpu.enqueue_dma source(%dma_start3A_208 : memref<1x32xf32, #tpu.memory_space<hbm>>) target(%dma_start3A_206 : memref<1x32xf32, #tpu.memory_space<vmem>>) target_semaphore(%arg12 : memref<!tpu.dma_semaphore, #tpu.memory_space<semaphore_mem>>)
      %slice3A_209 = vector.extract_strided_slice %get3A_64 {offsets = [5], sizes = [1], strides = [1]} : vector<16xi32> to vector<1xi32>
      %squeeze3A_210 = vector.extract %slice3A_209[0] : i32 from vector<1xi32>
      %mul3A_211 = arith.constant 16 : i32
      %mul3A_212 = arith.muli %scan3A_57, %mul3A_211 : i32
      %add3A_213 = arith.constant 5 : i32
      %add3A_214 = arith.addi %mul3A_212, %add3A_213 : i32
      %dma_start3A_215 = arith.constant 0 : i32
      %dma_start3A_216 = tpu.memref_slice %arg9[%add3A_214, %dma_start3A_215] : memref<256x32xf32, #tpu.memory_space<vmem>> -> memref<1x32xf32, #tpu.memory_space<vmem>>
      %dma_start3A_217 = arith.constant 0 : i32
      %dma_start3A_218 = tpu.memref_slice %arg4[%squeeze3A_210, %dma_start3A_217] : memref<1000000x32xf32, #tpu.memory_space<hbm>> -> memref<1x32xf32, #tpu.memory_space<hbm>>
      %dma_start3A_219 = arith.constant 0 : i32
      %dma_start3A_220 = tpu.memref_slice %arg9[%add3A_214, %dma_start3A_219] : memref<256x32xf32, #tpu.memory_space<vmem>> -> memref<1x32xf32, #tpu.memory_space<vmem>>
      %dma_start3A_221 = arith.constant 0 : i32
      %dma_start3A_222 = tpu.memref_slice %arg4[%squeeze3A_210, %dma_start3A_221] : memref<1000000x32xf32, #tpu.memory_space<hbm>> -> memref<1x32xf32, #tpu.memory_space<hbm>>
      tpu.enqueue_dma source(%dma_start3A_222 : memref<1x32xf32, #tpu.memory_space<hbm>>) target(%dma_start3A_220 : memref<1x32xf32, #tpu.memory_space<vmem>>) target_semaphore(%arg11 : memref<!tpu.dma_semaphore, #tpu.memory_space<semaphore_mem>>)
      %slice3A_223 = vector.extract_strided_slice %get3A_71 {offsets = [5], sizes = [1], strides = [1]} : vector<16xi32> to vector<1xi32>
      %squeeze3A_224 = vector.extract %slice3A_223[0] : i32 from vector<1xi32>
      %mul3A_225 = arith.constant 16 : i32
      %mul3A_226 = arith.muli %scan3A_57, %mul3A_225 : i32
      %add3A_227 = arith.constant 5 : i32
      %add3A_228 = arith.addi %mul3A_226, %add3A_227 : i32
      %dma_start3A_229 = arith.constant 0 : i32
      %dma_start3A_230 = tpu.memref_slice %arg10[%add3A_228, %dma_start3A_229] : memref<256x32xf32, #tpu.memory_space<vmem>> -> memref<1x32xf32, #tpu.memory_space<vmem>>
      %dma_start3A_231 = arith.constant 0 : i32
      %dma_start3A_232 = tpu.memref_slice %arg5[%squeeze3A_224, %dma_start3A_231] : memref<1000000x32xf32, #tpu.memory_space<hbm>> -> memref<1x32xf32, #tpu.memory_space<hbm>>
      %dma_start3A_233 = arith.constant 0 : i32
      %dma_start3A_234 = tpu.memref_slice %arg10[%add3A_228, %dma_start3A_233] : memref<256x32xf32, #tpu.memory_space<vmem>> -> memref<1x32xf32, #tpu.memory_space<vmem>>
      %dma_start3A_235 = arith.constant 0 : i32
      %dma_start3A_236 = tpu.memref_slice %arg5[%squeeze3A_224, %dma_start3A_235] : memref<1000000x32xf32, #tpu.memory_space<hbm>> -> memref<1x32xf32, #tpu.memory_space<hbm>>
      tpu.enqueue_dma source(%dma_start3A_236 : memref<1x32xf32, #tpu.memory_space<hbm>>) target(%dma_start3A_234 : memref<1x32xf32, #tpu.memory_space<vmem>>) target_semaphore(%arg12 : memref<!tpu.dma_semaphore, #tpu.memory_space<semaphore_mem>>)
      %slice3A_237 = vector.extract_strided_slice %get3A_64 {offsets = [6], sizes = [1], strides = [1]} : vector<16xi32> to vector<1xi32>
      %squeeze3A_238 = vector.extract %slice3A_237[0] : i32 from vector<1xi32>
      %mul3A_239 = arith.constant 16 : i32
      %mul3A_240 = arith.muli %scan3A_57, %mul3A_239 : i32
      %add3A_241 = arith.constant 6 : i32
      %add3A_242 = arith.addi %mul3A_240, %add3A_241 : i32
      %dma_start3A_243 = arith.constant 0 : i32
      %dma_start3A_244 = tpu.memref_slice %arg9[%add3A_242, %dma_start3A_243] : memref<256x32xf32, #tpu.memory_space<vmem>> -> memref<1x32xf32, #tpu.memory_space<vmem>>
      %dma_start3A_245 = arith.constant 0 : i32
      %dma_start3A_246 = tpu.memref_slice %arg4[%squeeze3A_238, %dma_start3A_245] : memref<1000000x32xf32, #tpu.memory_space<hbm>> -> memref<1x32xf32, #tpu.memory_space<hbm>>
      %dma_start3A_247 = arith.constant 0 : i32
      %dma_start3A_248 = tpu.memref_slice %arg9[%add3A_242, %dma_start3A_247] : memref<256x32xf32, #tpu.memory_space<vmem>> -> memref<1x32xf32, #tpu.memory_space<vmem>>
      %dma_start3A_249 = arith.constant 0 : i32
      %dma_start3A_250 = tpu.memref_slice %arg4[%squeeze3A_238, %dma_start3A_249] : memref<1000000x32xf32, #tpu.memory_space<hbm>> -> memref<1x32xf32, #tpu.memory_space<hbm>>
      tpu.enqueue_dma source(%dma_start3A_250 : memref<1x32xf32, #tpu.memory_space<hbm>>) target(%dma_start3A_248 : memref<1x32xf32, #tpu.memory_space<vmem>>) target_semaphore(%arg11 : memref<!tpu.dma_semaphore, #tpu.memory_space<semaphore_mem>>)
      %slice3A_251 = vector.extract_strided_slice %get3A_71 {offsets = [6], sizes = [1], strides = [1]} : vector<16xi32> to vector<1xi32>
      %squeeze3A_252 = vector.extract %slice3A_251[0] : i32 from vector<1xi32>
      %mul3A_253 = arith.constant 16 : i32
      %mul3A_254 = arith.muli %scan3A_57, %mul3A_253 : i32
      %add3A_255 = arith.constant 6 : i32
      %add3A_256 = arith.addi %mul3A_254, %add3A_255 : i32
      %dma_start3A_257 = arith.constant 0 : i32
      %dma_start3A_258 = tpu.memref_slice %arg10[%add3A_256, %dma_start3A_257] : memref<256x32xf32, #tpu.memory_space<vmem>> -> memref<1x32xf32, #tpu.memory_space<vmem>>
      %dma_start3A_259 = arith.constant 0 : i32
      %dma_start3A_260 = tpu.memref_slice %arg5[%squeeze3A_252, %dma_start3A_259] : memref<1000000x32xf32, #tpu.memory_space<hbm>> -> memref<1x32xf32, #tpu.memory_space<hbm>>
      %dma_start3A_261 = arith.constant 0 : i32
      %dma_start3A_262 = tpu.memref_slice %arg10[%add3A_256, %dma_start3A_261] : memref<256x32xf32, #tpu.memory_space<vmem>> -> memref<1x32xf32, #tpu.memory_space<vmem>>
      %dma_start3A_263 = arith.constant 0 : i32
      %dma_start3A_264 = tpu.memref_slice %arg5[%squeeze3A_252, %dma_start3A_263] : memref<1000000x32xf32, #tpu.memory_space<hbm>> -> memref<1x32xf32, #tpu.memory_space<hbm>>
      tpu.enqueue_dma source(%dma_start3A_264 : memref<1x32xf32, #tpu.memory_space<hbm>>) target(%dma_start3A_262 : memref<1x32xf32, #tpu.memory_space<vmem>>) target_semaphore(%arg12 : memref<!tpu.dma_semaphore, #tpu.memory_space<semaphore_mem>>)
      %slice3A_265 = vector.extract_strided_slice %get3A_64 {offsets = [7], sizes = [1], strides = [1]} : vector<16xi32> to vector<1xi32>
      %squeeze3A_266 = vector.extract %slice3A_265[0] : i32 from vector<1xi32>
      %mul3A_267 = arith.constant 16 : i32
      %mul3A_268 = arith.muli %scan3A_57, %mul3A_267 : i32
      %add3A_269 = arith.constant 7 : i32
      %add3A_270 = arith.addi %mul3A_268, %add3A_269 : i32
      %dma_start3A_271 = arith.constant 0 : i32
      %dma_start3A_272 = tpu.memref_slice %arg9[%add3A_270, %dma_start3A_271] : memref<256x32xf32, #tpu.memory_space<vmem>> -> memref<1x32xf32, #tpu.memory_space<vmem>>
      %dma_start3A_273 = arith.constant 0 : i32
      %dma_start3A_274 = tpu.memref_slice %arg4[%squeeze3A_266, %dma_start3A_273] : memref<1000000x32xf32, #tpu.memory_space<hbm>> -> memref<1x32xf32, #tpu.memory_space<hbm>>
      %dma_start3A_275 = arith.constant 0 : i32
      %dma_start3A_276 = tpu.memref_slice %arg9[%add3A_270, %dma_start3A_275] : memref<256x32xf32, #tpu.memory_space<vmem>> -> memref<1x32xf32, #tpu.memory_space<vmem>>
      %dma_start3A_277 = arith.constant 0 : i32
      %dma_start3A_278 = tpu.memref_slice %arg4[%squeeze3A_266, %dma_start3A_277] : memref<1000000x32xf32, #tpu.memory_space<hbm>> -> memref<1x32xf32, #tpu.memory_space<hbm>>
      tpu.enqueue_dma source(%dma_start3A_278 : memref<1x32xf32, #tpu.memory_space<hbm>>) target(%dma_start3A_276 : memref<1x32xf32, #tpu.memory_space<vmem>>) target_semaphore(%arg11 : memref<!tpu.dma_semaphore, #tpu.memory_space<semaphore_mem>>)
      %slice3A_279 = vector.extract_strided_slice %get3A_71 {offsets = [7], sizes = [1], strides = [1]} : vector<16xi32> to vector<1xi32>
      %squeeze3A_280 = vector.extract %slice3A_279[0] : i32 from vector<1xi32>
      %mul3A_281 = arith.constant 16 : i32
      %mul3A_282 = arith.muli %scan3A_57, %mul3A_281 : i32
      %add3A_283 = arith.constant 7 : i32
      %add3A_284 = arith.addi %mul3A_282, %add3A_283 : i32
      %dma_start3A_285 = arith.constant 0 : i32
      %dma_start3A_286 = tpu.memref_slice %arg10[%add3A_284, %dma_start3A_285] : memref<256x32xf32, #tpu.memory_space<vmem>> -> memref<1x32xf32, #tpu.memory_space<vmem>>
      %dma_start3A_287 = arith.constant 0 : i32
      %dma_start3A_288 = tpu.memref_slice %arg5[%squeeze3A_280, %dma_start3A_287] : memref<1000000x32xf32, #tpu.memory_space<hbm>> -> memref<1x32xf32, #tpu.memory_space<hbm>>
      %dma_start3A_289 = arith.constant 0 : i32
      %dma_start3A_290 = tpu.memref_slice %arg10[%add3A_284, %dma_start3A_289] : memref<256x32xf32, #tpu.memory_space<vmem>> -> memref<1x32xf32, #tpu.memory_space<vmem>>
      %dma_start3A_291 = arith.constant 0 : i32
      %dma_start3A_292 = tpu.memref_slice %arg5[%squeeze3A_280, %dma_start3A_291] : memref<1000000x32xf32, #tpu.memory_space<hbm>> -> memref<1x32xf32, #tpu.memory_space<hbm>>
      tpu.enqueue_dma source(%dma_start3A_292 : memref<1x32xf32, #tpu.memory_space<hbm>>) target(%dma_start3A_290 : memref<1x32xf32, #tpu.memory_space<vmem>>) target_semaphore(%arg12 : memref<!tpu.dma_semaphore, #tpu.memory_space<semaphore_mem>>)
      %slice3A_293 = vector.extract_strided_slice %get3A_64 {offsets = [8], sizes = [1], strides = [1]} : vector<16xi32> to vector<1xi32>
      %squeeze3A_294 = vector.extract %slice3A_293[0] : i32 from vector<1xi32>
      %mul3A_295 = arith.constant 16 : i32
      %mul3A_296 = arith.muli %scan3A_57, %mul3A_295 : i32
      %add3A_297 = arith.constant 8 : i32
      %add3A_298 = arith.addi %mul3A_296, %add3A_297 : i32
      %dma_start3A_299 = arith.constant 0 : i32
      %dma_start3A_300 = tpu.memref_slice %arg9[%add3A_298, %dma_start3A_299] : memref<256x32xf32, #tpu.memory_space<vmem>> -> memref<1x32xf32, #tpu.memory_space<vmem>>
      %dma_start3A_301 = arith.constant 0 : i32
      %dma_start3A_302 = tpu.memref_slice %arg4[%squeeze3A_294, %dma_start3A_301] : memref<1000000x32xf32, #tpu.memory_space<hbm>> -> memref<1x32xf32, #tpu.memory_space<hbm>>
      %dma_start3A_303 = arith.constant 0 : i32
      %dma_start3A_304 = tpu.memref_slice %arg9[%add3A_298, %dma_start3A_303] : memref<256x32xf32, #tpu.memory_space<vmem>> -> memref<1x32xf32, #tpu.memory_space<vmem>>
      %dma_start3A_305 = arith.constant 0 : i32
      %dma_start3A_306 = tpu.memref_slice %arg4[%squeeze3A_294, %dma_start3A_305] : memref<1000000x32xf32, #tpu.memory_space<hbm>> -> memref<1x32xf32, #tpu.memory_space<hbm>>
      tpu.enqueue_dma source(%dma_start3A_306 : memref<1x32xf32, #tpu.memory_space<hbm>>) target(%dma_start3A_304 : memref<1x32xf32, #tpu.memory_space<vmem>>) target_semaphore(%arg11 : memref<!tpu.dma_semaphore, #tpu.memory_space<semaphore_mem>>)
      %slice3A_307 = vector.extract_strided_slice %get3A_71 {offsets = [8], sizes = [1], strides = [1]} : vector<16xi32> to vector<1xi32>
      %squeeze3A_308 = vector.extract %slice3A_307[0] : i32 from vector<1xi32>
      %mul3A_309 = arith.constant 16 : i32
      %mul3A_310 = arith.muli %scan3A_57, %mul3A_309 : i32
      %add3A_311 = arith.constant 8 : i32
      %add3A_312 = arith.addi %mul3A_310, %add3A_311 : i32
      %dma_start3A_313 = arith.constant 0 : i32
      %dma_start3A_314 = tpu.memref_slice %arg10[%add3A_312, %dma_start3A_313] : memref<256x32xf32, #tpu.memory_space<vmem>> -> memref<1x32xf32, #tpu.memory_space<vmem>>
      %dma_start3A_315 = arith.constant 0 : i32
      %dma_start3A_316 = tpu.memref_slice %arg5[%squeeze3A_308, %dma_start3A_315] : memref<1000000x32xf32, #tpu.memory_space<hbm>> -> memref<1x32xf32, #tpu.memory_space<hbm>>
      %dma_start3A_317 = arith.constant 0 : i32
      %dma_start3A_318 = tpu.memref_slice %arg10[%add3A_312, %dma_start3A_317] : memref<256x32xf32, #tpu.memory_space<vmem>> -> memref<1x32xf32, #tpu.memory_space<vmem>>
      %dma_start3A_319 = arith.constant 0 : i32
      %dma_start3A_320 = tpu.memref_slice %arg5[%squeeze3A_308, %dma_start3A_319] : memref<1000000x32xf32, #tpu.memory_space<hbm>> -> memref<1x32xf32, #tpu.memory_space<hbm>>
      tpu.enqueue_dma source(%dma_start3A_320 : memref<1x32xf32, #tpu.memory_space<hbm>>) target(%dma_start3A_318 : memref<1x32xf32, #tpu.memory_space<vmem>>) target_semaphore(%arg12 : memref<!tpu.dma_semaphore, #tpu.memory_space<semaphore_mem>>)
      %slice3A_321 = vector.extract_strided_slice %get3A_64 {offsets = [9], sizes = [1], strides = [1]} : vector<16xi32> to vector<1xi32>
      %squeeze3A_322 = vector.extract %slice3A_321[0] : i32 from vector<1xi32>
      %mul3A_323 = arith.constant 16 : i32
      %mul3A_324 = arith.muli %scan3A_57, %mul3A_323 : i32
      %add3A_325 = arith.constant 9 : i32
      %add3A_326 = arith.addi %mul3A_324, %add3A_325 : i32
      %dma_start3A_327 = arith.constant 0 : i32
      %dma_start3A_328 = tpu.memref_slice %arg9[%add3A_326, %dma_start3A_327] : memref<256x32xf32, #tpu.memory_space<vmem>> -> memref<1x32xf32, #tpu.memory_space<vmem>>
      %dma_start3A_329 = arith.constant 0 : i32
      %dma_start3A_330 = tpu.memref_slice %arg4[%squeeze3A_322, %dma_start3A_329] : memref<1000000x32xf32, #tpu.memory_space<hbm>> -> memref<1x32xf32, #tpu.memory_space<hbm>>
      %dma_start3A_331 = arith.constant 0 : i32
      %dma_start3A_332 = tpu.memref_slice %arg9[%add3A_326, %dma_start3A_331] : memref<256x32xf32, #tpu.memory_space<vmem>> -> memref<1x32xf32, #tpu.memory_space<vmem>>
      %dma_start3A_333 = arith.constant 0 : i32
      %dma_start3A_334 = tpu.memref_slice %arg4[%squeeze3A_322, %dma_start3A_333] : memref<1000000x32xf32, #tpu.memory_space<hbm>> -> memref<1x32xf32, #tpu.memory_space<hbm>>
      tpu.enqueue_dma source(%dma_start3A_334 : memref<1x32xf32, #tpu.memory_space<hbm>>) target(%dma_start3A_332 : memref<1x32xf32, #tpu.memory_space<vmem>>) target_semaphore(%arg11 : memref<!tpu.dma_semaphore, #tpu.memory_space<semaphore_mem>>)
      %slice3A_335 = vector.extract_strided_slice %get3A_71 {offsets = [9], sizes = [1], strides = [1]} : vector<16xi32> to vector<1xi32>
      %squeeze3A_336 = vector.extract %slice3A_335[0] : i32 from vector<1xi32>
      %mul3A_337 = arith.constant 16 : i32
      %mul3A_338 = arith.muli %scan3A_57, %mul3A_337 : i32
      %add3A_339 = arith.constant 9 : i32
      %add3A_340 = arith.addi %mul3A_338, %add3A_339 : i32
      %dma_start3A_341 = arith.constant 0 : i32
      %dma_start3A_342 = tpu.memref_slice %arg10[%add3A_340, %dma_start3A_341] : memref<256x32xf32, #tpu.memory_space<vmem>> -> memref<1x32xf32, #tpu.memory_space<vmem>>
      %dma_start3A_343 = arith.constant 0 : i32
      %dma_start3A_344 = tpu.memref_slice %arg5[%squeeze3A_336, %dma_start3A_343] : memref<1000000x32xf32, #tpu.memory_space<hbm>> -> memref<1x32xf32, #tpu.memory_space<hbm>>
      %dma_start3A_345 = arith.constant 0 : i32
      %dma_start3A_346 = tpu.memref_slice %arg10[%add3A_340, %dma_start3A_345] : memref<256x32xf32, #tpu.memory_space<vmem>> -> memref<1x32xf32, #tpu.memory_space<vmem>>
      %dma_start3A_347 = arith.constant 0 : i32
      %dma_start3A_348 = tpu.memref_slice %arg5[%squeeze3A_336, %dma_start3A_347] : memref<1000000x32xf32, #tpu.memory_space<hbm>> -> memref<1x32xf32, #tpu.memory_space<hbm>>
      tpu.enqueue_dma source(%dma_start3A_348 : memref<1x32xf32, #tpu.memory_space<hbm>>) target(%dma_start3A_346 : memref<1x32xf32, #tpu.memory_space<vmem>>) target_semaphore(%arg12 : memref<!tpu.dma_semaphore, #tpu.memory_space<semaphore_mem>>)
      %slice3A_349 = vector.extract_strided_slice %get3A_64 {offsets = [10], sizes = [1], strides = [1]} : vector<16xi32> to vector<1xi32>
      %squeeze3A_350 = vector.extract %slice3A_349[0] : i32 from vector<1xi32>
      %mul3A_351 = arith.constant 16 : i32
      %mul3A_352 = arith.muli %scan3A_57, %mul3A_351 : i32
      %add3A_353 = arith.constant 10 : i32
      %add3A_354 = arith.addi %mul3A_352, %add3A_353 : i32
      %dma_start3A_355 = arith.constant 0 : i32
      %dma_start3A_356 = tpu.memref_slice %arg9[%add3A_354, %dma_start3A_355] : memref<256x32xf32, #tpu.memory_space<vmem>> -> memref<1x32xf32, #tpu.memory_space<vmem>>
      %dma_start3A_357 = arith.constant 0 : i32
      %dma_start3A_358 = tpu.memref_slice %arg4[%squeeze3A_350, %dma_start3A_357] : memref<1000000x32xf32, #tpu.memory_space<hbm>> -> memref<1x32xf32, #tpu.memory_space<hbm>>
      %dma_start3A_359 = arith.constant 0 : i32
      %dma_start3A_360 = tpu.memref_slice %arg9[%add3A_354, %dma_start3A_359] : memref<256x32xf32, #tpu.memory_space<vmem>> -> memref<1x32xf32, #tpu.memory_space<vmem>>
      %dma_start3A_361 = arith.constant 0 : i32
      %dma_start3A_362 = tpu.memref_slice %arg4[%squeeze3A_350, %dma_start3A_361] : memref<1000000x32xf32, #tpu.memory_space<hbm>> -> memref<1x32xf32, #tpu.memory_space<hbm>>
      tpu.enqueue_dma source(%dma_start3A_362 : memref<1x32xf32, #tpu.memory_space<hbm>>) target(%dma_start3A_360 : memref<1x32xf32, #tpu.memory_space<vmem>>) target_semaphore(%arg11 : memref<!tpu.dma_semaphore, #tpu.memory_space<semaphore_mem>>)
      %slice3A_363 = vector.extract_strided_slice %get3A_71 {offsets = [10], sizes = [1], strides = [1]} : vector<16xi32> to vector<1xi32>
      %squeeze3A_364 = vector.extract %slice3A_363[0] : i32 from vector<1xi32>
      %mul3A_365 = arith.constant 16 : i32
      %mul3A_366 = arith.muli %scan3A_57, %mul3A_365 : i32
      %add3A_367 = arith.constant 10 : i32
      %add3A_368 = arith.addi %mul3A_366, %add3A_367 : i32
      %dma_start3A_369 = arith.constant 0 : i32
      %dma_start3A_370 = tpu.memref_slice %arg10[%add3A_368, %dma_start3A_369] : memref<256x32xf32, #tpu.memory_space<vmem>> -> memref<1x32xf32, #tpu.memory_space<vmem>>
      %dma_start3A_371 = arith.constant 0 : i32
      %dma_start3A_372 = tpu.memref_slice %arg5[%squeeze3A_364, %dma_start3A_371] : memref<1000000x32xf32, #tpu.memory_space<hbm>> -> memref<1x32xf32, #tpu.memory_space<hbm>>
      %dma_start3A_373 = arith.constant 0 : i32
      %dma_start3A_374 = tpu.memref_slice %arg10[%add3A_368, %dma_start3A_373] : memref<256x32xf32, #tpu.memory_space<vmem>> -> memref<1x32xf32, #tpu.memory_space<vmem>>
      %dma_start3A_375 = arith.constant 0 : i32
      %dma_start3A_376 = tpu.memref_slice %arg5[%squeeze3A_364, %dma_start3A_375] : memref<1000000x32xf32, #tpu.memory_space<hbm>> -> memref<1x32xf32, #tpu.memory_space<hbm>>
      tpu.enqueue_dma source(%dma_start3A_376 : memref<1x32xf32, #tpu.memory_space<hbm>>) target(%dma_start3A_374 : memref<1x32xf32, #tpu.memory_space<vmem>>) target_semaphore(%arg12 : memref<!tpu.dma_semaphore, #tpu.memory_space<semaphore_mem>>)
      %slice3A_377 = vector.extract_strided_slice %get3A_64 {offsets = [11], sizes = [1], strides = [1]} : vector<16xi32> to vector<1xi32>
      %squeeze3A_378 = vector.extract %slice3A_377[0] : i32 from vector<1xi32>
      %mul3A_379 = arith.constant 16 : i32
      %mul3A_380 = arith.muli %scan3A_57, %mul3A_379 : i32
      %add3A_381 = arith.constant 11 : i32
      %add3A_382 = arith.addi %mul3A_380, %add3A_381 : i32
      %dma_start3A_383 = arith.constant 0 : i32
      %dma_start3A_384 = tpu.memref_slice %arg9[%add3A_382, %dma_start3A_383] : memref<256x32xf32, #tpu.memory_space<vmem>> -> memref<1x32xf32, #tpu.memory_space<vmem>>
      %dma_start3A_385 = arith.constant 0 : i32
      %dma_start3A_386 = tpu.memref_slice %arg4[%squeeze3A_378, %dma_start3A_385] : memref<1000000x32xf32, #tpu.memory_space<hbm>> -> memref<1x32xf32, #tpu.memory_space<hbm>>
      %dma_start3A_387 = arith.constant 0 : i32
      %dma_start3A_388 = tpu.memref_slice %arg9[%add3A_382, %dma_start3A_387] : memref<256x32xf32, #tpu.memory_space<vmem>> -> memref<1x32xf32, #tpu.memory_space<vmem>>
      %dma_start3A_389 = arith.constant 0 : i32
      %dma_start3A_390 = tpu.memref_slice %arg4[%squeeze3A_378, %dma_start3A_389] : memref<1000000x32xf32, #tpu.memory_space<hbm>> -> memref<1x32xf32, #tpu.memory_space<hbm>>
      tpu.enqueue_dma source(%dma_start3A_390 : memref<1x32xf32, #tpu.memory_space<hbm>>) target(%dma_start3A_388 : memref<1x32xf32, #tpu.memory_space<vmem>>) target_semaphore(%arg11 : memref<!tpu.dma_semaphore, #tpu.memory_space<semaphore_mem>>)
      %slice3A_391 = vector.extract_strided_slice %get3A_71 {offsets = [11], sizes = [1], strides = [1]} : vector<16xi32> to vector<1xi32>
      %squeeze3A_392 = vector.extract %slice3A_391[0] : i32 from vector<1xi32>
      %mul3A_393 = arith.constant 16 : i32
      %mul3A_394 = arith.muli %scan3A_57, %mul3A_393 : i32
      %add3A_395 = arith.constant 11 : i32
      %add3A_396 = arith.addi %mul3A_394, %add3A_395 : i32
      %dma_start3A_397 = arith.constant 0 : i32
      %dma_start3A_398 = tpu.memref_slice %arg10[%add3A_396, %dma_start3A_397] : memref<256x32xf32, #tpu.memory_space<vmem>> -> memref<1x32xf32, #tpu.memory_space<vmem>>
      %dma_start3A_399 = arith.constant 0 : i32
      %dma_start3A_400 = tpu.memref_slice %arg5[%squeeze3A_392, %dma_start3A_399] : memref<1000000x32xf32, #tpu.memory_space<hbm>> -> memref<1x32xf32, #tpu.memory_space<hbm>>
      %dma_start3A_401 = arith.constant 0 : i32
      %dma_start3A_402 = tpu.memref_slice %arg10[%add3A_396, %dma_start3A_401] : memref<256x32xf32, #tpu.memory_space<vmem>> -> memref<1x32xf32, #tpu.memory_space<vmem>>
      %dma_start3A_403 = arith.constant 0 : i32
      %dma_start3A_404 = tpu.memref_slice %arg5[%squeeze3A_392, %dma_start3A_403] : memref<1000000x32xf32, #tpu.memory_space<hbm>> -> memref<1x32xf32, #tpu.memory_space<hbm>>
      tpu.enqueue_dma source(%dma_start3A_404 : memref<1x32xf32, #tpu.memory_space<hbm>>) target(%dma_start3A_402 : memref<1x32xf32, #tpu.memory_space<vmem>>) target_semaphore(%arg12 : memref<!tpu.dma_semaphore, #tpu.memory_space<semaphore_mem>>)
      %slice3A_405 = vector.extract_strided_slice %get3A_64 {offsets = [12], sizes = [1], strides = [1]} : vector<16xi32> to vector<1xi32>
      %squeeze3A_406 = vector.extract %slice3A_405[0] : i32 from vector<1xi32>
      %mul3A_407 = arith.constant 16 : i32
      %mul3A_408 = arith.muli %scan3A_57, %mul3A_407 : i32
      %add3A_409 = arith.constant 12 : i32
      %add3A_410 = arith.addi %mul3A_408, %add3A_409 : i32
      %dma_start3A_411 = arith.constant 0 : i32
      %dma_start3A_412 = tpu.memref_slice %arg9[%add3A_410, %dma_start3A_411] : memref<256x32xf32, #tpu.memory_space<vmem>> -> memref<1x32xf32, #tpu.memory_space<vmem>>
      %dma_start3A_413 = arith.constant 0 : i32
      %dma_start3A_414 = tpu.memref_slice %arg4[%squeeze3A_406, %dma_start3A_413] : memref<1000000x32xf32, #tpu.memory_space<hbm>> -> memref<1x32xf32, #tpu.memory_space<hbm>>
      %dma_start3A_415 = arith.constant 0 : i32
      %dma_start3A_416 = tpu.memref_slice %arg9[%add3A_410, %dma_start3A_415] : memref<256x32xf32, #tpu.memory_space<vmem>> -> memref<1x32xf32, #tpu.memory_space<vmem>>
      %dma_start3A_417 = arith.constant 0 : i32
      %dma_start3A_418 = tpu.memref_slice %arg4[%squeeze3A_406, %dma_start3A_417] : memref<1000000x32xf32, #tpu.memory_space<hbm>> -> memref<1x32xf32, #tpu.memory_space<hbm>>
      tpu.enqueue_dma source(%dma_start3A_418 : memref<1x32xf32, #tpu.memory_space<hbm>>) target(%dma_start3A_416 : memref<1x32xf32, #tpu.memory_space<vmem>>) target_semaphore(%arg11 : memref<!tpu.dma_semaphore, #tpu.memory_space<semaphore_mem>>)
      %slice3A_419 = vector.extract_strided_slice %get3A_71 {offsets = [12], sizes = [1], strides = [1]} : vector<16xi32> to vector<1xi32>
      %squeeze3A_420 = vector.extract %slice3A_419[0] : i32 from vector<1xi32>
      %mul3A_421 = arith.constant 16 : i32
      %mul3A_422 = arith.muli %scan3A_57, %mul3A_421 : i32
      %add3A_423 = arith.constant 12 : i32
      %add3A_424 = arith.addi %mul3A_422, %add3A_423 : i32
      %dma_start3A_425 = arith.constant 0 : i32
      %dma_start3A_426 = tpu.memref_slice %arg10[%add3A_424, %dma_start3A_425] : memref<256x32xf32, #tpu.memory_space<vmem>> -> memref<1x32xf32, #tpu.memory_space<vmem>>
      %dma_start3A_427 = arith.constant 0 : i32
      %dma_start3A_428 = tpu.memref_slice %arg5[%squeeze3A_420, %dma_start3A_427] : memref<1000000x32xf32, #tpu.memory_space<hbm>> -> memref<1x32xf32, #tpu.memory_space<hbm>>
      %dma_start3A_429 = arith.constant 0 : i32
      %dma_start3A_430 = tpu.memref_slice %arg10[%add3A_424, %dma_start3A_429] : memref<256x32xf32, #tpu.memory_space<vmem>> -> memref<1x32xf32, #tpu.memory_space<vmem>>
      %dma_start3A_431 = arith.constant 0 : i32
      %dma_start3A_432 = tpu.memref_slice %arg5[%squeeze3A_420, %dma_start3A_431] : memref<1000000x32xf32, #tpu.memory_space<hbm>> -> memref<1x32xf32, #tpu.memory_space<hbm>>
      tpu.enqueue_dma source(%dma_start3A_432 : memref<1x32xf32, #tpu.memory_space<hbm>>) target(%dma_start3A_430 : memref<1x32xf32, #tpu.memory_space<vmem>>) target_semaphore(%arg12 : memref<!tpu.dma_semaphore, #tpu.memory_space<semaphore_mem>>)
      %slice3A_433 = vector.extract_strided_slice %get3A_64 {offsets = [13], sizes = [1], strides = [1]} : vector<16xi32> to vector<1xi32>
      %squeeze3A_434 = vector.extract %slice3A_433[0] : i32 from vector<1xi32>
      %mul3A_435 = arith.constant 16 : i32
      %mul3A_436 = arith.muli %scan3A_57, %mul3A_435 : i32
      %add3A_437 = arith.constant 13 : i32
      %add3A_438 = arith.addi %mul3A_436, %add3A_437 : i32
      %dma_start3A_439 = arith.constant 0 : i32
      %dma_start3A_440 = tpu.memref_slice %arg9[%add3A_438, %dma_start3A_439] : memref<256x32xf32, #tpu.memory_space<vmem>> -> memref<1x32xf32, #tpu.memory_space<vmem>>
      %dma_start3A_441 = arith.constant 0 : i32
      %dma_start3A_442 = tpu.memref_slice %arg4[%squeeze3A_434, %dma_start3A_441] : memref<1000000x32xf32, #tpu.memory_space<hbm>> -> memref<1x32xf32, #tpu.memory_space<hbm>>
      %dma_start3A_443 = arith.constant 0 : i32
      %dma_start3A_444 = tpu.memref_slice %arg9[%add3A_438, %dma_start3A_443] : memref<256x32xf32, #tpu.memory_space<vmem>> -> memref<1x32xf32, #tpu.memory_space<vmem>>
      %dma_start3A_445 = arith.constant 0 : i32
      %dma_start3A_446 = tpu.memref_slice %arg4[%squeeze3A_434, %dma_start3A_445] : memref<1000000x32xf32, #tpu.memory_space<hbm>> -> memref<1x32xf32, #tpu.memory_space<hbm>>
      tpu.enqueue_dma source(%dma_start3A_446 : memref<1x32xf32, #tpu.memory_space<hbm>>) target(%dma_start3A_444 : memref<1x32xf32, #tpu.memory_space<vmem>>) target_semaphore(%arg11 : memref<!tpu.dma_semaphore, #tpu.memory_space<semaphore_mem>>)
      %slice3A_447 = vector.extract_strided_slice %get3A_71 {offsets = [13], sizes = [1], strides = [1]} : vector<16xi32> to vector<1xi32>
      %squeeze3A_448 = vector.extract %slice3A_447[0] : i32 from vector<1xi32>
      %mul3A_449 = arith.constant 16 : i32
      %mul3A_450 = arith.muli %scan3A_57, %mul3A_449 : i32
      %add3A_451 = arith.constant 13 : i32
      %add3A_452 = arith.addi %mul3A_450, %add3A_451 : i32
      %dma_start3A_453 = arith.constant 0 : i32
      %dma_start3A_454 = tpu.memref_slice %arg10[%add3A_452, %dma_start3A_453] : memref<256x32xf32, #tpu.memory_space<vmem>> -> memref<1x32xf32, #tpu.memory_space<vmem>>
      %dma_start3A_455 = arith.constant 0 : i32
      %dma_start3A_456 = tpu.memref_slice %arg5[%squeeze3A_448, %dma_start3A_455] : memref<1000000x32xf32, #tpu.memory_space<hbm>> -> memref<1x32xf32, #tpu.memory_space<hbm>>
      %dma_start3A_457 = arith.constant 0 : i32
      %dma_start3A_458 = tpu.memref_slice %arg10[%add3A_452, %dma_start3A_457] : memref<256x32xf32, #tpu.memory_space<vmem>> -> memref<1x32xf32, #tpu.memory_space<vmem>>
      %dma_start3A_459 = arith.constant 0 : i32
      %dma_start3A_460 = tpu.memref_slice %arg5[%squeeze3A_448, %dma_start3A_459] : memref<1000000x32xf32, #tpu.memory_space<hbm>> -> memref<1x32xf32, #tpu.memory_space<hbm>>
      tpu.enqueue_dma source(%dma_start3A_460 : memref<1x32xf32, #tpu.memory_space<hbm>>) target(%dma_start3A_458 : memref<1x32xf32, #tpu.memory_space<vmem>>) target_semaphore(%arg12 : memref<!tpu.dma_semaphore, #tpu.memory_space<semaphore_mem>>)
      %slice3A_461 = vector.extract_strided_slice %get3A_64 {offsets = [14], sizes = [1], strides = [1]} : vector<16xi32> to vector<1xi32>
      %squeeze3A_462 = vector.extract %slice3A_461[0] : i32 from vector<1xi32>
      %mul3A_463 = arith.constant 16 : i32
      %mul3A_464 = arith.muli %scan3A_57, %mul3A_463 : i32
      %add3A_465 = arith.constant 14 : i32
      %add3A_466 = arith.addi %mul3A_464, %add3A_465 : i32
      %dma_start3A_467 = arith.constant 0 : i32
      %dma_start3A_468 = tpu.memref_slice %arg9[%add3A_466, %dma_start3A_467] : memref<256x32xf32, #tpu.memory_space<vmem>> -> memref<1x32xf32, #tpu.memory_space<vmem>>
      %dma_start3A_469 = arith.constant 0 : i32
      %dma_start3A_470 = tpu.memref_slice %arg4[%squeeze3A_462, %dma_start3A_469] : memref<1000000x32xf32, #tpu.memory_space<hbm>> -> memref<1x32xf32, #tpu.memory_space<hbm>>
      %dma_start3A_471 = arith.constant 0 : i32
      %dma_start3A_472 = tpu.memref_slice %arg9[%add3A_466, %dma_start3A_471] : memref<256x32xf32, #tpu.memory_space<vmem>> -> memref<1x32xf32, #tpu.memory_space<vmem>>
      %dma_start3A_473 = arith.constant 0 : i32
      %dma_start3A_474 = tpu.memref_slice %arg4[%squeeze3A_462, %dma_start3A_473] : memref<1000000x32xf32, #tpu.memory_space<hbm>> -> memref<1x32xf32, #tpu.memory_space<hbm>>
      tpu.enqueue_dma source(%dma_start3A_474 : memref<1x32xf32, #tpu.memory_space<hbm>>) target(%dma_start3A_472 : memref<1x32xf32, #tpu.memory_space<vmem>>) target_semaphore(%arg11 : memref<!tpu.dma_semaphore, #tpu.memory_space<semaphore_mem>>)
      %slice3A_475 = vector.extract_strided_slice %get3A_71 {offsets = [14], sizes = [1], strides = [1]} : vector<16xi32> to vector<1xi32>
      %squeeze3A_476 = vector.extract %slice3A_475[0] : i32 from vector<1xi32>
      %mul3A_477 = arith.constant 16 : i32
      %mul3A_478 = arith.muli %scan3A_57, %mul3A_477 : i32
      %add3A_479 = arith.constant 14 : i32
      %add3A_480 = arith.addi %mul3A_478, %add3A_479 : i32
      %dma_start3A_481 = arith.constant 0 : i32
      %dma_start3A_482 = tpu.memref_slice %arg10[%add3A_480, %dma_start3A_481] : memref<256x32xf32, #tpu.memory_space<vmem>> -> memref<1x32xf32, #tpu.memory_space<vmem>>
      %dma_start3A_483 = arith.constant 0 : i32
      %dma_start3A_484 = tpu.memref_slice %arg5[%squeeze3A_476, %dma_start3A_483] : memref<1000000x32xf32, #tpu.memory_space<hbm>> -> memref<1x32xf32, #tpu.memory_space<hbm>>
      %dma_start3A_485 = arith.constant 0 : i32
      %dma_start3A_486 = tpu.memref_slice %arg10[%add3A_480, %dma_start3A_485] : memref<256x32xf32, #tpu.memory_space<vmem>> -> memref<1x32xf32, #tpu.memory_space<vmem>>
      %dma_start3A_487 = arith.constant 0 : i32
      %dma_start3A_488 = tpu.memref_slice %arg5[%squeeze3A_476, %dma_start3A_487] : memref<1000000x32xf32, #tpu.memory_space<hbm>> -> memref<1x32xf32, #tpu.memory_space<hbm>>
      tpu.enqueue_dma source(%dma_start3A_488 : memref<1x32xf32, #tpu.memory_space<hbm>>) target(%dma_start3A_486 : memref<1x32xf32, #tpu.memory_space<vmem>>) target_semaphore(%arg12 : memref<!tpu.dma_semaphore, #tpu.memory_space<semaphore_mem>>)
      %slice3A_489 = vector.extract_strided_slice %get3A_64 {offsets = [15], sizes = [1], strides = [1]} : vector<16xi32> to vector<1xi32>
      %squeeze3A_490 = vector.extract %slice3A_489[0] : i32 from vector<1xi32>
      %mul3A_491 = arith.constant 16 : i32
      %mul3A_492 = arith.muli %scan3A_57, %mul3A_491 : i32
      %add3A_493 = arith.constant 15 : i32
      %add3A_494 = arith.addi %mul3A_492, %add3A_493 : i32
      %dma_start3A_495 = arith.constant 0 : i32
      %dma_start3A_496 = tpu.memref_slice %arg9[%add3A_494, %dma_start3A_495] : memref<256x32xf32, #tpu.memory_space<vmem>> -> memref<1x32xf32, #tpu.memory_space<vmem>>
      %dma_start3A_497 = arith.constant 0 : i32
      %dma_start3A_498 = tpu.memref_slice %arg4[%squeeze3A_490, %dma_start3A_497] : memref<1000000x32xf32, #tpu.memory_space<hbm>> -> memref<1x32xf32, #tpu.memory_space<hbm>>
      %dma_start3A_499 = arith.constant 0 : i32
      %dma_start3A_500 = tpu.memref_slice %arg9[%add3A_494, %dma_start3A_499] : memref<256x32xf32, #tpu.memory_space<vmem>> -> memref<1x32xf32, #tpu.memory_space<vmem>>
      %dma_start3A_501 = arith.constant 0 : i32
      %dma_start3A_502 = tpu.memref_slice %arg4[%squeeze3A_490, %dma_start3A_501] : memref<1000000x32xf32, #tpu.memory_space<hbm>> -> memref<1x32xf32, #tpu.memory_space<hbm>>
      tpu.enqueue_dma source(%dma_start3A_502 : memref<1x32xf32, #tpu.memory_space<hbm>>) target(%dma_start3A_500 : memref<1x32xf32, #tpu.memory_space<vmem>>) target_semaphore(%arg11 : memref<!tpu.dma_semaphore, #tpu.memory_space<semaphore_mem>>)
      %slice3A_503 = vector.extract_strided_slice %get3A_71 {offsets = [15], sizes = [1], strides = [1]} : vector<16xi32> to vector<1xi32>
      %squeeze3A_504 = vector.extract %slice3A_503[0] : i32 from vector<1xi32>
      %mul3A_505 = arith.constant 16 : i32
      %mul3A_506 = arith.muli %scan3A_57, %mul3A_505 : i32
      %add3A_507 = arith.constant 15 : i32
      %add3A_508 = arith.addi %mul3A_506, %add3A_507 : i32
      %dma_start3A_509 = arith.constant 0 : i32
      %dma_start3A_510 = tpu.memref_slice %arg10[%add3A_508, %dma_start3A_509] : memref<256x32xf32, #tpu.memory_space<vmem>> -> memref<1x32xf32, #tpu.memory_space<vmem>>
      %dma_start3A_511 = arith.constant 0 : i32
      %dma_start3A_512 = tpu.memref_slice %arg5[%squeeze3A_504, %dma_start3A_511] : memref<1000000x32xf32, #tpu.memory_space<hbm>> -> memref<1x32xf32, #tpu.memory_space<hbm>>
      %dma_start3A_513 = arith.constant 0 : i32
      %dma_start3A_514 = tpu.memref_slice %arg10[%add3A_508, %dma_start3A_513] : memref<256x32xf32, #tpu.memory_space<vmem>> -> memref<1x32xf32, #tpu.memory_space<vmem>>
      %dma_start3A_515 = arith.constant 0 : i32
      %dma_start3A_516 = tpu.memref_slice %arg5[%squeeze3A_504, %dma_start3A_515] : memref<1000000x32xf32, #tpu.memory_space<hbm>> -> memref<1x32xf32, #tpu.memory_space<hbm>>
      tpu.enqueue_dma source(%dma_start3A_516 : memref<1x32xf32, #tpu.memory_space<hbm>>) target(%dma_start3A_514 : memref<1x32xf32, #tpu.memory_space<vmem>>) target_semaphore(%arg12 : memref<!tpu.dma_semaphore, #tpu.memory_space<semaphore_mem>>)
      %scan3A_517 = arith.constant 0 : i32
      scf.yield %scan3A_517 : i32
    }
    %scan3A_35 = arith.constant 16 : i32
    %dma_wait3A_36 = arith.constant 0 : i32
    %dma_wait3A_37 = arith.constant 0 : i32
    %dma_wait3A_38 = tpu.memref_slice %arg4[%dma_wait3A_36, %dma_wait3A_37] : memref<1000000x32xf32, #tpu.memory_space<hbm>> -> memref<256x32xf32, #tpu.memory_space<hbm>>
    %dma_wait3A_39 = arith.constant 0 : i32
    %dma_wait3A_40 = arith.constant 0 : i32
    %dma_wait3A_41 = tpu.memref_slice %arg4[%dma_wait3A_39, %dma_wait3A_40] : memref<1000000x32xf32, #tpu.memory_space<hbm>> -> memref<256x32xf32, #tpu.memory_space<hbm>>
    tpu.wait_dma2 semaphore(%arg11 : memref<!tpu.dma_semaphore, #tpu.memory_space<semaphore_mem>>) src(%dma_wait3A_41 : memref<256x32xf32, #tpu.memory_space<hbm>>) dst(%arg9 : memref<256x32xf32, #tpu.memory_space<vmem>>)
    %dma_wait3A_42 = arith.constant 0 : i32
    %dma_wait3A_43 = arith.constant 0 : i32
    %dma_wait3A_44 = tpu.memref_slice %arg5[%dma_wait3A_42, %dma_wait3A_43] : memref<1000000x32xf32, #tpu.memory_space<hbm>> -> memref<256x32xf32, #tpu.memory_space<hbm>>
    %dma_wait3A_45 = arith.constant 0 : i32
    %dma_wait3A_46 = arith.constant 0 : i32
    %dma_wait3A_47 = tpu.memref_slice %arg5[%dma_wait3A_45, %dma_wait3A_46] : memref<1000000x32xf32, #tpu.memory_space<hbm>> -> memref<256x32xf32, #tpu.memory_space<hbm>>
    tpu.wait_dma2 semaphore(%arg12 : memref<!tpu.dma_semaphore, #tpu.memory_space<semaphore_mem>>) src(%dma_wait3A_47 : memref<256x32xf32, #tpu.memory_space<hbm>>) dst(%arg10 : memref<256x32xf32, #tpu.memory_space<vmem>>)
    %scan3A_48 = arith.constant 0 : i32
    %scan3A_49 = arith.constant 0 : i32
    %scan3A_50 = arith.constant 256 : i32
    %scan3A_51 = arith.addi %scan3A_49, %scan3A_50 : i32
    %scan3A_52 = arith.constant 1 : i32
    %scan3A_53 = scf.for %scan3A_57 = %scan3A_49 to %scan3A_51 step %scan3A_52 iter_args(%scan3A_58 = %scan3A_48) -> (i32)  : i32 {
      %get3A = arith.index_cast %scan3A_57 : i32 to index
      %get3A_59 = arith.constant 0 : index
      %get3A_60 = tpu.vector_load %arg9[%get3A, %get3A_59] {strides = array<i32>} : memref<256x32xf32, #tpu.memory_space<vmem>>, vector<1x16xf32>,
      %get3A_61 = vector.shape_cast %get3A_60 : vector<1x16xf32> to vector<16xf32>
      %get3A_62 = arith.index_cast %scan3A_57 : i32 to index
      %get3A_63 = arith.constant 0 : index
      %get3A_64 = tpu.vector_load %arg10[%get3A_62, %get3A_63] {strides = array<i32>} : memref<256x32xf32, #tpu.memory_space<vmem>>, vector<1x16xf32>,
      %get3A_65 = vector.shape_cast %get3A_64 : vector<1x16xf32> to vector<16xf32>
      %mul3A_66 = arith.mulf %get3A_61, %get3A_65 : vector<16xf32>
      %swap3A = arith.index_cast %scan3A_57 : i32 to index
      %swap3A_67 = arith.constant 0 : index
      %swap3A_68 = tpu.vector_load %arg9[%swap3A, %swap3A_67] {strides = array<i32>} : memref<256x32xf32, #tpu.memory_space<vmem>>, vector<1x16xf32>,
      %swap3A_69 = vector.shape_cast %swap3A_68 : vector<1x16xf32> to vector<16xf32>
      %swap3A_70 = vector.shape_cast %mul3A_66 : vector<16xf32> to vector<1x16xf32>
      tpu.vector_store %arg9[%swap3A, %swap3A_67], %swap3A_70 {strides = array<i32>} : memref<256x32xf32, #tpu.memory_space<vmem>>, vector<1x16xf32>,
      %get3A_71 = arith.index_cast %scan3A_57 : i32 to index
      %get3A_72 = arith.constant 16 : index
      %get3A_73 = tpu.vector_load %arg9[%get3A_71, %get3A_72] {strides = array<i32>} : memref<256x32xf32, #tpu.memory_space<vmem>>, vector<1x16xf32>,
      %get3A_74 = vector.shape_cast %get3A_73 : vector<1x16xf32> to vector<16xf32>
      %get3A_75 = arith.index_cast %scan3A_57 : i32 to index
      %get3A_76 = arith.constant 16 : index
      %get3A_77 = tpu.vector_load %arg10[%get3A_75, %get3A_76] {strides = array<i32>} : memref<256x32xf32, #tpu.memory_space<vmem>>, vector<1x16xf32>,
      %get3A_78 = vector.shape_cast %get3A_77 : vector<1x16xf32> to vector<16xf32>
      %mul3A_79 = arith.mulf %get3A_74, %get3A_78 : vector<16xf32>
      %swap3A_80 = arith.index_cast %scan3A_57 : i32 to index
      %swap3A_81 = arith.constant 16 : index
      %swap3A_82 = tpu.vector_load %arg9[%swap3A_80, %swap3A_81] {strides = array<i32>} : memref<256x32xf32, #tpu.memory_space<vmem>>, vector<1x16xf32>,
      %swap3A_83 = vector.shape_cast %swap3A_82 : vector<1x16xf32> to vector<16xf32>
      %swap3A_84 = vector.shape_cast %mul3A_79 : vector<16xf32> to vector<1x16xf32>
      tpu.vector_store %arg9[%swap3A_80, %swap3A_81], %swap3A_84 {strides = array<i32>} : memref<256x32xf32, #tpu.memory_space<vmem>>, vector<1x16xf32>,
      %scan3A_85 = arith.constant 0 : i32
      scf.yield %scan3A_85 : i32
    }
    %scan3A_54 = arith.constant 256 : i32
    %add3A_55 = arith.constant 256 : i32
    %add3A_56 = arith.addi %mul3A_2, %add3A_55 : i32
    "tpu.region"() ({
      %run_scoped3A = tpu.sem_alloc : memref<!tpu.dma_semaphore, #tpu.memory_space<semaphore_mem>>
      %dma_start3A = arith.constant 0 : i32
      %dma_start3A_57 = tpu.memref_slice %arg6[%add3A_56, %dma_start3A] : memref<16384x32xf32, #tpu.memory_space<hbm>> -> memref<256x32xf32, #tpu.memory_space<hbm>>
      %dma_start3A_58 = arith.constant 0 : i32
      %dma_start3A_59 = tpu.memref_slice %arg6[%add3A_56, %dma_start3A_58] : memref<16384x32xf32, #tpu.memory_space<hbm>> -> memref<256x32xf32, #tpu.memory_space<hbm>>
      tpu.enqueue_dma source(%arg9 : memref<256x32xf32, #tpu.memory_space<vmem>>) target(%dma_start3A_59 : memref<256x32xf32, #tpu.memory_space<hbm>>) target_semaphore(%run_scoped3A : memref<!tpu.dma_semaphore, #tpu.memory_space<semaphore_mem>>)
      %dma_wait3A_60 = arith.constant 0 : i32
      %dma_wait3A_61 = tpu.memref_slice %arg6[%add3A_56, %dma_wait3A_60] : memref<16384x32xf32, #tpu.memory_space<hbm>> -> memref<256x32xf32, #tpu.memory_space<hbm>>
      %dma_wait3A_62 = arith.constant 0 : i32
      %dma_wait3A_63 = tpu.memref_slice %arg6[%add3A_56, %dma_wait3A_62] : memref<16384x32xf32, #tpu.memory_space<hbm>> -> memref<256x32xf32, #tpu.memory_space<hbm>>
      tpu.wait_dma2 semaphore(%run_scoped3A : memref<!tpu.dma_semaphore, #tpu.memory_space<semaphore_mem>>) src(%arg9 : memref<256x32xf32, #tpu.memory_space<vmem>>) dst(%dma_wait3A_63 : memref<256x32xf32, #tpu.memory_space<hbm>>)
      tpu.yield
    }) : () -> ()
    return
  }
}

</mosaic_0001>

<sc_bundles>
// kernel: kernel.3.cloned.1.call-start
scs
__scs_entry_jumppad:
0x0: {  	(pc) =	sbr.rel $0x88, $3  }
0x1: {  	(tag) =	ssettag $0x0;
	lr =	simm.s32 $0x1  }
0x2: {  	[smem:$0x3F9D] =	sst lr;
	_ =	strace $0xD0000000  }
0x3: {  	_ = 	snop  }
0x4: {  	_ = 	snop  }
0x5: {  	_ = 	snop  }
0x6: {  	_ = 	snop  }
0x7: {  	_ = 	snop  }
__scs_overlays_trampoline_lowered:
0x8: {  	[smem:$0x3FAC] =	sst s0  }
0x9: {  	[smem:$0x3FAD] =	sst s1  }
0xa: {  	[smem:$0x3FAE] =	sst s2  }
0xb: {  	[smem:$0x3FAF] =	sst s3  }
0xc: {  	[smem:$0x3FB0] =	sst s4  }
0xd: {  	[smem:$0x3FB1] =	sst s5  }
0xe: {  	[smem:$0x3FB2] =	sst s6  }
0xf: {  	[smem:$0x3FB3] =	sst s7  }
0x10: {  	[smem:$0x3FB4] =	sst s8  }
0x11: {  	[smem:$0x3FB5] =	sst s9;
	s0 =	simm.s32 @!p0 $0x0  }
0x12: {  	s1 =	sld [smem:$0x3F9B];
	s0 =	simm.s32 @p0 $0x1  }
0x13: {  	[smem:$0x3FB6] =	sst s0;
	s0 =	simm.s32 @!p1 $0x0  }
0x14: {  	s2 =	sld [smem:$0x3F9A];
	s0 =	simm.s32 @p1 $0x1  }
0x15: {  	[smem:$0x3FB7] =	sst s0;
	s0 =	simm.s32 @!p2 $0x0  }
0x16: {  	s3 =	sld [smem:$0x3FDB];
	s0 =	simm.s32 @p2 $0x1  }
0x17: {  	s4 =	simm.s32 $0x1BF5;
	[smem:$0x3FB9] =	sst s0  }
0x18: {  	s0 =	sld [smem:$0x3F9C];
	_ =	swait.ge [sflag:s4], $0x0  }
0x19: {  	s7 =	sld [smem:$0x3F9D]  }
0x1a: {  	s8 =	sadd.s32 $0xFFFFE003, lr  }
0x1b: {  	s9 =	sadd.s32 $0xFFFFFEF7, lr;
	s5 =	simm.s32 $0xFFFFFFFF;
	p2 =	slt.u32 s8, $0xFFFFF086  }
0x1c: {  	p1 =	slt.u32 s9, $0xF7A;
	s5 =	simm.s32 @!p2 $0x0  }
0x1d: {  	s5 =	simm.s32 @p1 $0x1;
	p0 =	seq.s32 s7, s2  }
0x1e: {  	s7 =	smul.u32 @!p0 $0xF7A, s2;
	p2 =	seq.s32 @!p0 s5, $0x0  }
0x1f: {  	s9 =	smul.u32 $0xF7A, s1;
	s8 =	simm.s32 @!p0 $0x1BF5;
	p2 =	por !p2, p0  }
0x20: {  	[sflag:s8] =	ssyncset.s32 @!p0 $0xFFFFF086;
	s6 =	sadd.s32 @!p0 s3, s7;
	s7 =	simm.s32 @!p0 $0x108  }
0x21: {  	s3 =	sadd.s32 s3, s9;
	s6 =	sadd.s32 @!p0 $0x88, s6;
	s7 =	simm.s32 @p2 $0x1082  }
0x22: {  	[simem:s7], [sflag:s8] =	dma.local @!p0 [hbm:s6], $0xF7A  }
0x23: {  	s9 =	sor.u32 $0xD0000000, s2;
	s6 =	simm.s32 $0x108;
	_ =	swait.ge @!p0 [sflag:s8], $0x0  }
0x24: {  	s3 =	sadd.s32 $0x88, s3;
	s6 =	simm.s32 @!p1 $0x1082;
	[sflag:s4] =	ssyncset.s32 $0xFFFFF086  }
0x25: {  	[simem:s6], [sflag:s4] =	dma.local [hbm:s3], $0xF7A  }
0x26: {  	[smem:$0x3F9D] =	sst s1;
	(tag) =	ssettag s2;
	_ =	strace s9  }
0x27: {  	s1 =	sld [smem:$0x3FAD]  }
0x28: {  	s2 =	sld [smem:$0x3FAE]  }
0x29: {  	s4 =	sld [smem:$0x3FB0]  }
0x2a: {  	p0 =	seq.s32 s5, $0x0;
	s5 =	sld [smem:$0x3FB1]  }
0x2b: {  	s6 =	sld [smem:$0x3FB2]  }
0x2c: {  	s7 =	sld [smem:$0x3FB3]  }
0x2d: {  	s3 =	simm.s32 $0x108;
	s8 =	sld [smem:$0x3FB4]  }
0x2e: {  	s3 =	simm.s32 @!p0 $0x1082;
	s9 =	sld [smem:$0x3FB5]  }
0x2f: {  	lr =	sadd.s32 s0, s3;
	s0 =	sld [smem:$0x3FAC]  }
0x30: {  	s3 =	sld [smem:$0x3FAF]  }
0x31: {  	[smem:$0x3FB8] =	sst s10  }
0x32: {  	s10 =	sld [smem:$0x3FB6];
	_ =	sdelay $0x3  }
0x33: {  	p0 =	seq.s32 s10, $0x1;
	s10 =	sld [smem:$0x3FB8];
	_ =	sdelay $0x3  }
0x34: {  	[smem:$0x3FB8] =	sst s10  }
0x35: {  	s10 =	sld [smem:$0x3FB7];
	_ =	sdelay $0x3  }
0x36: {  	p1 =	seq.s32 s10, $0x1;
	s10 =	sld [smem:$0x3FB8];
	_ =	sdelay $0x3  }
0x37: {  	[smem:$0x3FB8] =	sst s10  }
0x38: {  	s10 =	sld [smem:$0x3FB9]  }
0x39: {  	_ = 	snop;
	(pc) =	sbr.ind lr, $3  }
0x3a: {  	_ = 	snop  }
0x3b: {  	_ = 	snop  }
0x3c: {  	p2 =	seq.s32 s10, $0x1;
	s10 =	sld [smem:$0x3FB8]  }
0x3d: {  	_ =	shalt  }
0x3e: {  	_ =	shalt  }
0x3f: {  	_ =	shalt  }
0x40: {  	_ =	shalt  }
0x41: {  	_ =	shalt  }
0x42: {  	_ =	shalt  }
0x43: {  	_ =	shalt  }
0x44: {  	_ =	shalt  }
0x45: {  	_ =	shalt  }
0x46: {  	_ =	shalt  }
0x47: {  	_ =	shalt  }
0x48: {  	_ =	shalt  }
0x49: {  	_ =	shalt  }
0x4a: {  	_ =	shalt  }
0x4b: {  	_ =	shalt  }
0x4c: {  	_ =	shalt  }
0x4d: {  	_ =	shalt  }
0x4e: {  	_ =	shalt  }
0x4f: {  	_ =	shalt  }
0x50: {  	_ =	shalt  }
0x51: {  	_ =	shalt  }
0x52: {  	_ =	shalt  }
0x53: {  	_ =	shalt  }
0x54: {  	_ =	shalt  }
0x55: {  	_ =	shalt  }
0x56: {  	_ =	shalt  }
0x57: {  	_ =	shalt  }
0x58: {  	_ =	shalt  }
0x59: {  	_ =	shalt  }
0x5a: {  	_ =	shalt  }
0x5b: {  	_ =	shalt  }
0x5c: {  	_ =	shalt  }
0x5d: {  	_ =	shalt  }
0x5e: {  	_ =	shalt  }
0x5f: {  	_ =	shalt  }
0x60: {  	_ =	shalt  }
0x61: {  	_ =	shalt  }
0x62: {  	_ =	shalt  }
0x63: {  	_ =	shalt  }
0x64: {  	_ =	shalt  }
0x65: {  	_ =	shalt  }
0x66: {  	_ =	shalt  }
0x67: {  	_ =	shalt  }
0x68: {  	_ =	shalt  }
0x69: {  	_ =	shalt  }
0x6a: {  	_ =	shalt  }
0x6b: {  	_ =	shalt  }
0x6c: {  	_ =	shalt  }
0x6d: {  	_ =	shalt  }
0x6e: {  	_ =	shalt  }
0x6f: {  	_ =	shalt  }
0x70: {  	_ =	shalt  }
0x71: {  	_ =	shalt  }
0x72: {  	_ =	shalt  }
0x73: {  	_ =	shalt  }
0x74: {  	_ =	shalt  }
0x75: {  	_ =	shalt  }
0x76: {  	_ =	shalt  }
0x77: {  	_ =	shalt  }
0x78: {  	_ =	shalt  }
0x79: {  	_ =	shalt  }
0x7a: {  	_ =	shalt  }
0x7b: {  	_ =	shalt  }
0x7c: {  	_ =	shalt  }
0x7d: {  	_ =	shalt  }
0x7e: {  	_ =	shalt  }
0x7f: {  	_ =	shalt  }
0x80: {  	_ =	shalt  }
0x81: {  	_ =	shalt  }
0x82: {  	_ =	shalt  }
0x83: {  	_ =	shalt  }
0x84: {  	_ =	shalt  }
0x85: {  	_ =	shalt  }
0x86: {  	_ =	shalt  }
0x87: {  	_ =	shalt  }
.Lfunc_end0:
.L_simem_size_0:
called_computation_lowered:
.L_overlay_start_0:
0x88: {  	s2 =	sld [smem:$0x3FD9]  }
0x89: {  	s3 =	sld [smem:$0x3FFE];
	_ =	sdelay $0x1  }
0x8a: {  	s1 =	srdreg.scid  }
0x8b: {  	s0 =	sand.u32 $0x1, s1  }
0x8c: {  	s17 =	sshll.u32 s0, $0xA;
	s2 =	sadd.s32 s3, s2  }
0x8d: {  	s2 =	sadd.s32 s2, s17  }
0x8e: {  	[smem:$0x3FC4] =	sst s2  }
0x8f: {  	_ = 	snop  }
0x90: {  	s2 =	sld [smem:$0x3FC9]  }
0x91: {  	s18 =	sld [smem:$0x3FC8];
	(tm) =	ssettm $0x1  }
0x92: {  	s4 =	sld [smem:$0x3FFB];
	_ =	sdelay $0x3  }
0x93: {  	_ =	strace s4  }
0x94: {  	s4 =	sld [smem:$0x3FFC];
	_ =	sdelay $0x3  }
0x95: {  	_ =	strace s4  }
0x96: {  	s4 =	sld [smem:$0x3FFD];
	_ =	sdelay $0x3  }
0x97: {  	_ =	strace s4  }
0x98: {  	_ =	strace $0x8FFFFFFF  }
0x99: {  	s19 =	sld [smem:$0x3FDB];
	_ =	sdelay $0x1  }
0x9a: {  	s5 =	simm.s32 $_scs_section_size  }
0x9b: {  	s6 =	simm.s32 $_size__tile_overlayer_lowered;
	s7 =	simm.s32 $_tile_overlayer_lowered  }
0x9c: {  	s22 =	simm.s32 $0x1BFF;
	s21 =	sshll.u32 s7, $0x1;
	s4 =	sadd.s32 s5, s19  }
0x9d: {  	s8 =	simm.s32 $0x0;
	s20 =	sshll.u32 s6, $0x1;
	s6 =	sadd.s32 s21, s4  }
0x9e: {  	[timem:s8], [sflag:s22] =	dma.local [hbm:s6], s20  }
0x9f: {  	_ =	swait.ge [sflag:s22], s20  }
0xa0: {  	s5 =	ssub.s32 $0x0, s20;
	[sflag:s22] =	ssyncset.done $0x0  }
0xa1: {  	[sflag:s22] =	ssyncadd.s32 s5;
	_ =	sdelay $0x1  }
0xa2: {  	s23 =	simm.s32 $0x1B8B  }
0xa3: {  	_ =	swait.ge [sflag:s23], $0x1  }
0xa4: {  	[sflag:s23] =	ssyncset.done $0x0  }
0xa5: {  	s25 =	simm.s32 $0x1B8E;
	s24 =	sld [smem:$0x3FFE];
	[sflag:s23] =	ssyncadd.s32 $0xFFFFFFFF  }
0xa6: {  	s26 =	simm.s32 $execute0_lowered;
	[smem:$0x3FD2] =	sst s25  }
0xa7: {  	s6 =	sshll.u32 s26, $0x1;
	_ =	strace $0x80000046;
	[dreg:$0x1] =	wrdreg $0xFFFFFFFF  }
0xa8: {  	s28 =	simm.s32 $_size_execute0_lowered;
	s4 =	sadd.s32 s4, s6;
	[dreg:$0x0] =	wrdreg $0x0  }
0xa9: {  	s6 =	sshll.u32 s28, $0x1;
	[dreg:$0x2] =	wrdreg s4  }
0xaa: {  	[dreg:$0x3] =	wrdreg s6  }
0xab: {  	[dreg:$0x4] =	wrdreg $0xC0  }
0xac: {  	_ =	task [dreg:s8], $0x5FFFF  }
0xad: {  	[dreg:$0x1] =	wrdreg $0xFFFFFFFF  }
0xae: {  	[dreg:$0x0] =	wrdreg $0x60  }
0xaf: {  	[dreg:$0x2] =	wrdreg s2  }
0xb0: {  	[dreg:$0x3] =	wrdreg s18  }
0xb1: {  	[dreg:$0x4] =	wrdreg s24  }
0xb2: {  	[dreg:$0x5] =	wrdreg $0x9  }
0xb3: {  	_ =	task.clear_ibuf [dreg:s8], $0x6FFFF;
	_ =	strace $0x90000046  }
0xb4: {  	s29 =	simm.s32 $0x9;
	_ =	strace $0x80000048  }
0xb5: {  	_ =	swait.ge [sflag:s29], $0x1  }
0xb6: {  	[sflag:s29] =	ssyncadd.s32 $0xFFFFFFFF  }
0xb7: {  	_ =	strace $0x90000048  }
0xb8: {  	_ =	sfence  }
0xb9: {  	s30 =	sld [smem:$0x0];
	_ =	sdelay $0x2  }
0xba: {  	s31 =	sshll.u32 s1, $0xD;
	s1 =	sshrl.u32 s1, $0x2  }
0xbb: {  	s3 =	sand.u32 $0x4000, s31;
	s1 =	sadd.s32 s1, s30  }
0xbc: {  	s0 =	sor.u32 s3, s0;
	s1 =	sshll.u32 s1, $0x11  }
0xbd: {  	s0 =	sor.u32 s1, s0  }
0xbe: {  	s0 =	sadd.s32 $0x8F2B, s0  }
0xbf: {  	[sflag:s0] =	ssyncadd.remote.s32 $0x1  }
0xc0: {  	_ =	sfence.sel $0xFFFF  }
0xc1: {  	[dreg:$0x0] =	wrdreg $0xFFFFFFFF;
	(pc) =	sbr.abs _section_cstart, $3  }
0xc2: {  	[dreg:$0x1] =	wrdreg $0xFFFFFFFF  }
0xc3: {  	_ =	task.clear_ibuf [dreg:s8], $0x2FFFF;
	_ =	strace $0x9FFFFFFF  }
0xc4: {  	(tm) =	ssettm $0x7FFFFFFF  }
0xc5: {  	_ =	shalt  }
tec
execute0_lowered:
.L_overlay_start_1:
0x0: {  	(tag) =	ssettag $0x1  }
0x1: {  	s0 =	rddreg [dreg:$0x0]  }
0x2: {  	s1 =	rddreg [dreg:$0x1]  }
0x3: {  	s5 =	rddreg [dreg:$0x2];
	s3 =	srdreg.scid  }
0x4: {  	s2 =	simm.s32 $0x0;
	s4 =	stileid.u32;
	s6 =	sand.u32 $0x1, s3  }
0x5: {  	[smem:$0x7FF] =	sst s2;
	s7 =	sshll.u32 s4, $0xA;
	s8 =	sshll.u32 s6, $0x9  }
0x6: {  	s3 =	sadd.s32 $0x400, s5;
	s4 =	sadd.s32 $0xF42800, s5;
	s7 =	sor.u32 s8, s7  }
0x7: {  	s6 =	ssub.s32 $0x2, s6;
	s8 =	sshll.u32 s7, $0x4;
	s7 =	sshrl.u32 s7, $0x3  }
0x8: {  	_ =	strace $0x80000047;
	s9 =	sshrl.u32 s6, $0x1;
	s0 =	sadd.s32 s0, s7  }
0x9: {  	s6 =	ssub.s32 s6, s9;
	s28 =	sadd.s32 s1, s7;
	[dreg:$0x16] =	wrdreg s0  }
0xa: {  	s5 =	sadd.s32 s8, s5;
	s31 =	smax.u32 s6, $0x1;
	[dreg:$0x17] =	wrdreg s28  }
0xb: {  	s29 =	sadd.s32 $0x1E84C00, s5;
	[dreg:$0x1a] =	wrdreg s31  }
0xc: {  	s30 =	sadd.s32 $0x1E85C00, s5;
	[dreg:$0x18] =	wrdreg s29  }
0xd: {  	s1 =	simm.s32 $0x0;
	s5 =	simm.s32 $0x3;
	[dreg:$0x19] =	wrdreg s30  }
.LBB2_1:
0xe: {  	[dreg:$0x1b] =	wrdreg s1  }
0xf: {  	s0 =	rddreg [dreg:$0x16]  }
0x10: {  	[tilespmem:s2], [sflag:$0x3] =	stream.linear.gather [hbm4b:s0+s2], $0x200, $0x38;
	[tilespmem:$0x10400] =	vst v63  }
0x11: {  	_ =	swait.ge [sflag:s5], $0x200  }
0x12: {  	[sflag:s5] =	ssyncset.done $0x0  }
0x13: {  	s24 =	simm.s32 $0x200;
	s25 =	rddreg [dreg:$0x17];
	[sflag:s5] =	ssyncadd.s32 $0xFFFFFE00  }
0x14: {  	[tilespmem:s24], [sflag:$0x3] =	stream.linear.gather [hbm4b:s25+s2], $0x200, $0x38;
	[tilespmem:$0x10400] =	vst v63  }
0x15: {  	_ =	swait.ge [sflag:s5], $0x200  }
0x16: {  	[sflag:s5] =	ssyncset.done $0x0  }
0x17: {  	[sflag:s5] =	ssyncadd.s32 $0xFFFFFE00  }
0x18: {  	v0 =	vld [tilespmem:s2+$0x0]  }
0x19: {  	v2 =	vld [tilespmem:s24+$0x0];
	_ =	sdelay $0x3  }
0x1a: {  	v1 =	vshll.u32 v0, $0x4  }
0x1b: {  	v63 =	vshll.u32 v2, $0x4;
	(v2sf) =	vpush v1, $0x0  }
0x1c: {  	(v2sf) =	vpush v63, $0x0  }
0x1d: {  	(v2sf) =	vpush v1, $0x1;
	_ =	sdelay $0x1  }
0x1e: {  	(v2sf) =	vpush v63, $0x1;
	_ =	sdelay $0x3  }
0x1f: {  	(v2sf) =	vpush v1, $0x2;
	_ =	sdelay $0x1  }
0x20: {  	(v2sf) =	vpush v63, $0x2  }
0x21: {  	s16 =	simm.s32 $0x2000;
	(v2sf) =	vpush v1, $0x3  }
0x22: {  	s15 =	simm.s32 $0x0;
	s6 =	simm.s32 $0x8400;
	s1 =	simm.s32 $0x880  }
0x23: {  	s7 =	simm.s32 $0x400;
	s9 =	simm.s32 $0x600;
	s10 =	simm.s32 $0x580  }
0x24: {  	s29 =	simm.s32 $0x480;
	s13 =	simm.s32 $0x500;
	s18 =	simm.s32 $0x8500  }
0x25: {  	s23 =	simm.s32 $0x8600;
	s0 =	simm.s32 $0x8900;
	s8 =	spop (v2sf);
	(v2sf) =	vpush v63, $0x3  }
0x26: {  	s5 =	simm.s32 $0x680;
	s8 =	sand.u32 $0x1FFFFFF0, s8;
	s11 =	spop (v2sf)  }
0x27: {  	(v2sf) =	vpush v1, $0x4;
	s8 =	sadd.s32 s3, s8;
	s26 =	sand.u32 $0x1FFFFFF0, s11;
	s28 =	spop (v2sf)  }
0x28: {  	(v2sf) =	vpush v63, $0x4;
	[tilespmem:s7], [sflag:$0x1] =	stream.linear.gather [hbm4b:s8+s2], $0x80, $0x38;
	[tilespmem:$0x10400] =	vst v63  }
0x29: {  	s8 =	sadd.s32 s4, s26;
	s11 =	sand.u32 $0x1FFFFFF0, s28;
	s12 =	spop (v2sf)  }
0x2a: {  	(v2sf) =	vpush v1, $0x5;
	[tilespmem:s6], [sflag:$0x2] =	stream.linear.gather [hbm4b:s8+s2], $0x80, $0x38;
	[tilespmem:$0x10400] =	vst v63  }
0x2b: {  	s7 =	simm.s32 $0x8580;
	s30 =	sadd.s32 s3, s11;
	s31 =	sand.u32 $0x1FFFFFF0, s12;
	(v2sf) =	vpush v63, $0x5  }
0x2c: {  	[tilespmem:s29], [sflag:$0x1] =	stream.linear.gather [hbm4b:s30+s2], $0x80, $0x38;
	[tilespmem:$0x10400] =	vst v63  }
0x2d: {  	s12 =	spop (v2sf);
	s8 =	simm.s32 $0x8480;
	s11 =	sadd.s32 s4, s31;
	(v2sf) =	vpush v1, $0x6  }
0x2e: {  	[tilespmem:s8], [sflag:$0x2] =	stream.linear.gather [hbm4b:s11+s2], $0x80, $0x38;
	[tilespmem:$0x10400] =	vst v63  }
0x2f: {  	s14 =	spop (v2sf);
	s31 =	simm.s32 $0x700;
	s8 =	sand.u32 $0x1FFFFFF0, s12  }
0x30: {  	s17 =	spop (v2sf);
	s11 =	sand.u32 $0x1FFFFFF0, s14;
	s8 =	sadd.s32 s3, s8  }
0x31: {  	(v2sf) =	vpush v63, $0x6;
	[tilespmem:s13], [sflag:$0x1] =	stream.linear.gather [hbm4b:s8+s2], $0x80, $0x38;
	[tilespmem:$0x10400] =	vst v63  }
0x32: {  	s20 =	sand.u32 $0x1FFFFFF0, s17;
	s29 =	simm.s32 $0x8680;
	s19 =	sadd.s32 s4, s11  }
0x33: {  	[tilespmem:s18], [sflag:$0x2] =	stream.linear.gather [hbm4b:s19+s2], $0x80, $0x38;
	[tilespmem:$0x10400] =	vst v63  }
0x34: {  	s22 =	sadd.s32 s3, s20;
	s20 =	simm.s32 $0x8700;
	s21 =	spop (v2sf)  }
0x35: {  	(v2sf) =	vpush v1, $0x7;
	[tilespmem:s10], [sflag:$0x1] =	stream.linear.gather [hbm4b:s22+s2], $0x80, $0x38;
	[tilespmem:$0x10400] =	vst v63  }
0x36: {  	s13 =	simm.s32 $0xA80;
	s6 =	sand.u32 $0x1FFFFFF0, s21;
	s24 =	spop (v2sf)  }
0x37: {  	s19 =	simm.s32 $0x8A00;
	(v2sf) =	vpush v63, $0x7;
	s6 =	sadd.s32 s4, s6;
	s25 =	spop (v2sf)  }
0x38: {  	(v2sf) =	vpush v1, $0x8;
	[tilespmem:s7], [sflag:$0x2] =	stream.linear.gather [hbm4b:s6+s2], $0x80, $0x38;
	[tilespmem:$0x10400] =	vst v63  }
0x39: {  	s10 =	sand.u32 $0x1FFFFFF0, s24;
	s28 =	sand.u32 $0x1FFFFFF0, s25;
	s30 =	spop (v2sf)  }
0x3a: {  	s26 =	sadd.s32 s3, s10;
	(v2sf) =	vpush v63, $0x8;
	s7 =	sadd.s32 s4, s28;
	s10 =	spop (v2sf)  }
0x3b: {  	(v2sf) =	vpush v1, $0x9;
	[tilespmem:s9], [sflag:$0x1] =	stream.linear.gather [hbm4b:s26+s2], $0x80, $0x38;
	[tilespmem:$0x10400] =	vst v63  }
0x3c: {  	s9 =	sand.u32 $0x1FFFFFF0, s30;
	s11 =	spop (v2sf);
	s26 =	simm.s32 $0x8780  }
0x3d: {  	(v2sf) =	vpush v63, $0x9;
	[tilespmem:s23], [sflag:$0x2] =	stream.linear.gather [hbm4b:s7+s2], $0x80, $0x38;
	[tilespmem:$0x10400] =	vst v63  }
0x3e: {  	s8 =	sadd.s32 s3, s9;
	s9 =	sand.u32 $0x1FFFFFF0, s10;
	s14 =	sand.u32 $0x1FFFFFF0, s11;
	(v2sf) =	vpush v1, $0xA  }
0x3f: {  	[tilespmem:s5], [sflag:$0x1] =	stream.linear.gather [hbm4b:s8+s2], $0x80, $0x38;
	[tilespmem:$0x10400] =	vst v63  }
0x40: {  	s10 =	simm.s32 $0x8A80;
	s17 =	spop (v2sf);
	s12 =	sadd.s32 s4, s9;
	(v2sf) =	vpush v63, $0xA  }
0x41: {  	[tilespmem:s29], [sflag:$0x2] =	stream.linear.gather [hbm4b:s12+s2], $0x80, $0x38;
	[tilespmem:$0x10400] =	vst v63  }
0x42: {  	s11 =	simm.s32 $0x8880;
	s18 =	sadd.s32 s3, s14;
	s6 =	sand.u32 $0x1FFFFFF0, s17  }
0x43: {  	[tilespmem:s31], [sflag:$0x1] =	stream.linear.gather [hbm4b:s18+s2], $0x80, $0x38;
	[tilespmem:$0x10400] =	vst v63  }
0x44: {  	s23 =	simm.s32 $0x780;
	s6 =	sadd.s32 s4, s6;
	s21 =	spop (v2sf)  }
0x45: {  	[tilespmem:s20], [sflag:$0x2] =	stream.linear.gather [hbm4b:s6+s2], $0x80, $0x38;
	[tilespmem:$0x10400] =	vst v63  }
0x46: {  	s14 =	simm.s32 $0x900;
	(v2sf) =	vpush v1, $0xB;
	s8 =	sand.u32 $0x1FFFFFF0, s21;
	s22 =	spop (v2sf)  }
0x47: {  	s5 =	simm.s32 $0x8980;
	s24 =	sadd.s32 s3, s8;
	s28 =	spop (v2sf)  }
0x48: {  	(v2sf) =	vpush v63, $0xB;
	[tilespmem:s23], [sflag:$0x1] =	stream.linear.gather [hbm4b:s24+s2], $0x80, $0x38;
	[tilespmem:$0x10400] =	vst v63  }
0x49: {  	s29 =	simm.s32 $0x800;
	s25 =	sand.u32 $0x1FFFFFF0, s22;
	s30 =	spop (v2sf)  }
0x4a: {  	s8 =	sadd.s32 s4, s25;
	s7 =	sand.u32 $0x1FFFFFF0, s28;
	s31 =	spop (v2sf)  }
0x4b: {  	(v2sf) =	vpush v1, $0xC;
	[tilespmem:s26], [sflag:$0x2] =	stream.linear.gather [hbm4b:s8+s2], $0x80, $0x38;
	[tilespmem:$0x10400] =	vst v63  }
0x4c: {  	s7 =	sadd.s32 s3, s7;
	s8 =	sand.u32 $0x1FFFFFF0, s30;
	s12 =	spop (v2sf)  }
0x4d: {  	(v2sf) =	vpush v63, $0xC;
	s9 =	sand.u32 $0x1FFFFFF0, s31;
	s26 =	simm.s32 $0x980;
	s17 =	spop (v2sf)  }
0x4e: {  	[tilespmem:s29], [sflag:$0x1] =	stream.linear.gather [hbm4b:s7+s2], $0x80, $0x38;
	[tilespmem:$0x10400] =	vst v63  }
0x4f: {  	s8 =	sadd.s32 s4, s8;
	s7 =	simm.s32 $0x8800;
	s18 =	spop (v2sf)  }
0x50: {  	[tilespmem:s7], [sflag:$0x2] =	stream.linear.gather [hbm4b:s8+s2], $0x80, $0x38;
	[tilespmem:$0x10400] =	vst v63  }
0x51: {  	s21 =	sand.u32 $0x1FFFFFF0, s18;
	s8 =	sadd.s32 s3, s9;
	s7 =	sand.u32 $0x1FFFFFF0, s12  }
0x52: {  	[tilespmem:s1], [sflag:$0x1] =	stream.linear.gather [hbm4b:s8+s2], $0x80, $0x38;
	[tilespmem:$0x10400] =	vst v63  }
0x53: {  	s23 =	sadd.s32 s4, s21;
	s7 =	sadd.s32 s4, s7;
	s8 =	sand.u32 $0x1FFFFFF0, s17  }
0x54: {  	[tilespmem:s11], [sflag:$0x2] =	stream.linear.gather [hbm4b:s7+s2], $0x80, $0x38;
	[tilespmem:$0x10400] =	vst v63  }
0x55: {  	s21 =	simm.s32 $0x210;
	s20 =	sadd.s32 s3, s8;
	s22 =	spop (v2sf)  }
0x56: {  	[tilespmem:s14], [sflag:$0x1] =	stream.linear.gather [hbm4b:s20+s2], $0x80, $0x38;
	[tilespmem:$0x10400] =	vst v63  }
0x57: {  	s20 =	simm.s32 $0x10;
	s24 =	sand.u32 $0x1FFFFFF0, s22;
	s25 =	spop (v2sf)  }
0x58: {  	(v2sf) =	vpush v1, $0xD;
	[tilespmem:s0], [sflag:$0x2] =	stream.linear.gather [hbm4b:s23+s2], $0x80, $0x38;
	[tilespmem:$0x10400] =	vst v63  }
0x59: {  	(v2sf) =	vpush v63, $0xD;
	s22 =	simm.s32 $0x8B00;
	s28 =	sadd.s32 s3, s24;
	s29 =	sand.u32 $0x1FFFFFF0, s25  }
0x5a: {  	s24 =	simm.s32 $0xA00;
	(v2sf) =	vpush v1, $0xE;
	s23 =	simm.s32 $0xB00;
	s31 =	spop (v2sf)  }
0x5b: {  	(v2sf) =	vpush v63, $0xE;
	[tilespmem:s26], [sflag:$0x1] =	stream.linear.gather [hbm4b:s28+s2], $0x80, $0x38;
	[tilespmem:$0x10400] =	vst v63  }
0x5c: {  	s30 =	sadd.s32 s4, s29;
	(v2sf) =	vpush v1, $0xF;
	s0 =	sand.u32 $0x1FFFFFF0, s31;
	s1 =	spop (v2sf)  }
0x5d: {  	(v2sf) =	vpush v63, $0xF;
	[tilespmem:s5], [sflag:$0x2] =	stream.linear.gather [hbm4b:s30+s2], $0x80, $0x38;
	[tilespmem:$0x10400] =	vst v63  }
.LBB2_2:
0x5e: {  	_ =	sdelay $0x4  }
0x5f: {  	s0 =	sadd.s32 s3, s0;
	s1 =	sand.u32 $0x1FFFFFF0, s1  }
0x60: {  	[tilespmem:s24], [sflag:$0x1] =	stream.linear.gather [hbm4b:s0+s2], $0x80, $0x38;
	[tilespmem:$0x10400] =	vst v63  }
0x61: {  	s25 =	sadd.s32 s4, s1  }
0x62: {  	[tilespmem:s19], [sflag:$0x2] =	stream.linear.gather [hbm4b:s25+s2], $0x80, $0x38;
	[tilespmem:$0x10400] =	vst v63  }
0x63: {  	s5 =	spop (v2sf)  }
0x64: {  	s26 =	sand.u32 $0x1FFFFFF0, s5;
	s28 =	spop (v2sf)  }
0x65: {  	s29 =	sadd.s32 s3, s26;
	s30 =	sand.u32 $0x1FFFFFF0, s28;
	s31 =	spop (v2sf)  }
0x66: {  	[tilespmem:s13], [sflag:$0x1] =	stream.linear.gather [hbm4b:s29+s2], $0x80, $0x38;
	[tilespmem:$0x10400] =	vst v63  }
0x67: {  	s1 =	sadd.s32 s4, s30;
	s5 =	sand.u32 $0x1FFFFFF0, s31;
	s6 =	spop (v2sf)  }
0x68: {  	[tilespmem:s10], [sflag:$0x2] =	stream.linear.gather [hbm4b:s1+s2], $0x80, $0x38;
	[tilespmem:$0x10400] =	vst v63  }
0x69: {  	s7 =	sadd.s32 s3, s5;
	s8 =	sand.u32 $0x1FFFFFF0, s6;
	s9 =	spop (v2sf)  }
0x6a: {  	[tilespmem:s23], [sflag:$0x1] =	stream.linear.gather [hbm4b:s7+s2], $0x80, $0x38;
	[tilespmem:$0x10400] =	vst v63  }
0x6b: {  	s10 =	sadd.s32 s4, s8;
	s11 =	sand.u32 $0x1FFFFFF0, s9;
	s12 =	spop (v2sf)  }
0x6c: {  	[tilespmem:s22], [sflag:$0x2] =	stream.linear.gather [hbm4b:s10+s2], $0x80, $0x38;
	[tilespmem:$0x10400] =	vst v63  }
0x6d: {  	s13 =	sadd.s32 $0xB80, s15;
	s1 =	sadd.s32 s3, s11;
	s5 =	sand.u32 $0x1FFFFFF0, s12  }
0x6e: {  	[tilespmem:s13], [sflag:$0x1] =	stream.linear.gather [hbm4b:s1+s2], $0x80, $0x38;
	[tilespmem:$0x10400] =	vst v63  }
0x6f: {  	s14 =	sadd.s32 $0x8B80, s15;
	s15 =	sadd.s32 s4, s5  }
0x70: {  	[tilespmem:s14], [sflag:$0x2] =	stream.linear.gather [hbm4b:s15+s2], $0x80, $0x38;
	[tilespmem:$0x10400] =	vst v63  }
0x71: {  	v0 =	vld [tilespmem:s20+$0x0]  }
0x72: {  	v2 =	vld [tilespmem:s21+$0x0];
	_ =	sdelay $0x3  }
0x73: {  	v1 =	vshll.u32 v0, $0x4  }
0x74: {  	s17 =	smov.u32 s16;
	v63 =	vshll.u32 v2, $0x4;
	(v2sf) =	vpush v1, $0x0  }
0x75: {  	s15 =	sshra.s32 s17, $0x2;
	(v2sf) =	vpush v63, $0x0  }
0x76: {  	p0 =	sne.s32 s16, $0x1E000;
	s16 =	sadd.s32 $0x2000, s16;
	s26 =	sadd.s32 $0x8400, s15;
	(v2sf) =	vpush v1, $0x1  }
0x77: {  	s0 =	sadd.s32 $0x680, s15;
	s18 =	sadd.s32 $0x880, s15;
	s29 =	sadd.s32 $0x400, s15  }
0x78: {  	s11 =	sadd.s32 $0x600, s15;
	s19 =	sadd.s32 $0x8900, s15;
	s14 =	sadd.s32 $0x580, s15;
	(v2sf) =	vpush v63, $0x1  }
0x79: {  	s10 =	sadd.s32 $0x8580, s15;
	s25 =	sadd.s32 $0x500, s15;
	s12 =	sadd.s32 $0x8600, s15  }
0x7a: {  	s13 =	sadd.s32 $0xA80, s15;
	s28 =	sadd.s32 $0x8480, s15;
	s17 =	sadd.s32 $0x8500, s15;
	(v2sf) =	vpush v1, $0x2  }
0x7b: {  	s9 =	sadd.s32 $0x8680, s15;
	s8 =	sadd.s32 $0x700, s15;
	[dreg:$0x14] =	wrdreg s0  }
0x7c: {  	s22 =	sadd.s32 $0x8980, s15;
	s1 =	sadd.s32 $0x8A80, s15;
	[dreg:$0x8] =	wrdreg s18;
	(v2sf) =	vpush v63, $0x2  }
0x7d: {  	s7 =	sadd.s32 $0x8700, s15;
	s23 =	sadd.s32 $0x8880, s15;
	[dreg:$0x4] =	wrdreg s19  }
0x7e: {  	s24 =	sadd.s32 $0x900, s15;
	s6 =	sadd.s32 $0x780, s15;
	[dreg:$0x6] =	wrdreg s22;
	(v2sf) =	vpush v1, $0x3  }
0x7f: {  	s30 =	sadd.s32 $0x8800, s15;
	s5 =	sadd.s32 $0x8780, s15;
	[dreg:$0xc] =	wrdreg s23  }
0x80: {  	s31 =	sadd.s32 $0x800, s15;
	s20 =	sadd.s32 $0x10, s20;
	[dreg:$0xa] =	wrdreg s24;
	(v2sf) =	vpush v63, $0x3  }
0x81: {  	s21 =	sadd.s32 $0x10, s21;
	s19 =	sadd.s32 $0x8A00, s15;
	[dreg:$0x10] =	wrdreg s30  }
0x82: {  	s24 =	sadd.s32 $0xA00, s15;
	s30 =	sadd.s32 $0x480, s15;
	[dreg:$0x12] =	wrdreg s31;
	(v2sf) =	vpush v1, $0x4  }
0x83: {  	s23 =	sadd.s32 $0xB00, s15;
	s18 =	sadd.s32 $0x980, s15;
	s31 =	spop (v2sf)  }
0x84: {  	[dreg:$0xe] =	wrdreg s18;
	s31 =	sand.u32 $0x1FFFFFF0, s31;
	s18 =	spop (v2sf);
	(v2sf) =	vpush v63, $0x4  }
0x85: {  	s31 =	sadd.s32 s3, s31;
	s18 =	sand.u32 $0x1FFFFFF0, s18;
	s0 =	spop (v2sf)  }
0x86: {  	(v2sf) =	vpush v1, $0x5;
	[tilespmem:s29], [sflag:$0x1] =	stream.linear.gather [hbm4b:s31+s2], $0x80, $0x38;
	[tilespmem:$0x10400] =	vst v63  }
0x87: {  	s18 =	sadd.s32 s4, s18;
	s0 =	sand.u32 $0x1FFFFFF0, s0;
	s31 =	spop (v2sf);
	(v2sf) =	vpush v63, $0x5  }
0x88: {  	[tilespmem:s26], [sflag:$0x2] =	stream.linear.gather [hbm4b:s18+s2], $0x80, $0x38;
	[tilespmem:$0x10400] =	vst v63  }
0x89: {  	s0 =	sadd.s32 s3, s0;
	s29 =	sand.u32 $0x1FFFFFF0, s31;
	s31 =	spop (v2sf);
	(v2sf) =	vpush v1, $0x6  }
0x8a: {  	[tilespmem:s30], [sflag:$0x1] =	stream.linear.gather [hbm4b:s0+s2], $0x80, $0x38;
	[tilespmem:$0x10400] =	vst v63  }
0x8b: {  	s29 =	sadd.s32 s4, s29;
	s30 =	sand.u32 $0x1FFFFFF0, s31;
	s31 =	spop (v2sf);
	(v2sf) =	vpush v63, $0x6  }
0x8c: {  	[tilespmem:s28], [sflag:$0x2] =	stream.linear.gather [hbm4b:s29+s2], $0x80, $0x38;
	[tilespmem:$0x10400] =	vst v63  }
0x8d: {  	s29 =	sadd.s32 s3, s30;
	s30 =	sand.u32 $0x1FFFFFF0, s31;
	s31 =	spop (v2sf)  }
0x8e: {  	(v2sf) =	vpush v1, $0x7;
	[tilespmem:s25], [sflag:$0x1] =	stream.linear.gather [hbm4b:s29+s2], $0x80, $0x38;
	[tilespmem:$0x10400] =	vst v63  }
0x8f: {  	s26 =	sand.u32 $0x1FFFFFF0, s31;
	s28 =	spop (v2sf);
	s25 =	sadd.s32 s4, s30  }
0x90: {  	(v2sf) =	vpush v63, $0x7;
	[tilespmem:s17], [sflag:$0x2] =	stream.linear.gather [hbm4b:s25+s2], $0x80, $0x38;
	[tilespmem:$0x10400] =	vst v63  }
0x91: {  	s29 =	sadd.s32 s3, s26;
	s30 =	sand.u32 $0x1FFFFFF0, s28;
	s31 =	spop (v2sf)  }
0x92: {  	(v2sf) =	vpush v1, $0x8;
	[tilespmem:s14], [sflag:$0x1] =	stream.linear.gather [hbm4b:s29+s2], $0x80, $0x38;
	[tilespmem:$0x10400] =	vst v63  }
0x93: {  	s26 =	sand.u32 $0x1FFFFFF0, s31;
	s25 =	sadd.s32 s4, s30;
	s28 =	spop (v2sf)  }
0x94: {  	[tilespmem:s10], [sflag:$0x2] =	stream.linear.gather [hbm4b:s25+s2], $0x80, $0x38;
	[tilespmem:$0x10400] =	vst v63  }
0x95: {  	s22 =	sadd.s32 $0x8B00, s15;
	s29 =	sadd.s32 s3, s26;
	s31 =	spop (v2sf)  }
0x96: {  	(v2sf) =	vpush v63, $0x8;
	s30 =	sand.u32 $0x1FFFFFF0, s28;
	s28 =	rddreg [dreg:$0x14];
	s17 =	spop (v2sf)  }
0x97: {  	[tilespmem:s11], [sflag:$0x1] =	stream.linear.gather [hbm4b:s29+s2], $0x80, $0x38;
	[tilespmem:$0x10400] =	vst v63  }
0x98: {  	(v2sf) =	vpush v1, $0x9;
	s14 =	sand.u32 $0x1FFFFFF0, s31;
	s11 =	sadd.s32 s4, s30;
	s26 =	spop (v2sf)  }
0x99: {  	(v2sf) =	vpush v63, $0x9;
	[tilespmem:s12], [sflag:$0x2] =	stream.linear.gather [hbm4b:s11+s2], $0x80, $0x38;
	[tilespmem:$0x10400] =	vst v63  }
0x9a: {  	s18 =	sadd.s32 s3, s14;
	s25 =	sand.u32 $0x1FFFFFF0, s17;
	s31 =	spop (v2sf)  }
0x9b: {  	[tilespmem:s28], [sflag:$0x1] =	stream.linear.gather [hbm4b:s18+s2], $0x80, $0x38;
	[tilespmem:$0x10400] =	vst v63  }
0x9c: {  	s29 =	sadd.s32 s4, s25;
	s30 =	sand.u32 $0x1FFFFFF0, s26;
	s12 =	sand.u32 $0x1FFFFFF0, s31  }
0x9d: {  	(v2sf) =	vpush v1, $0xA;
	s10 =	sadd.s32 s3, s30;
	s14 =	spop (v2sf);
	s17 =	sadd.s32 s4, s12  }
0x9e: {  	[tilespmem:s9], [sflag:$0x2] =	stream.linear.gather [hbm4b:s29+s2], $0x80, $0x38;
	[tilespmem:$0x10400] =	vst v63  }
0x9f: {  	(v2sf) =	vpush v63, $0xA;
	s18 =	sand.u32 $0x1FFFFFF0, s14;
	s25 =	spop (v2sf);
	s14 =	rddreg [dreg:$0x10]  }
0xa0: {  	[tilespmem:s8], [sflag:$0x1] =	stream.linear.gather [hbm4b:s10+s2], $0x80, $0x38;
	[tilespmem:$0x10400] =	vst v63  }
0xa1: {  	(v2sf) =	vpush v1, $0xB;
	s26 =	sadd.s32 s3, s18;
	s28 =	sand.u32 $0x1FFFFFF0, s25;
	s29 =	spop (v2sf)  }
0xa2: {  	[tilespmem:s7], [sflag:$0x2] =	stream.linear.gather [hbm4b:s17+s2], $0x80, $0x38;
	[tilespmem:$0x10400] =	vst v63  }
0xa3: {  	s10 =	smov.u32 s1;
	s30 =	sadd.s32 s4, s28;
	s8 =	rddreg [dreg:$0x12]  }
0xa4: {  	[tilespmem:s6], [sflag:$0x1] =	stream.linear.gather [hbm4b:s26+s2], $0x80, $0x38;
	[tilespmem:$0x10400] =	vst v63  }
0xa5: {  	(v2sf) =	vpush v63, $0xB;
	s31 =	sand.u32 $0x1FFFFFF0, s29;
	s1 =	spop (v2sf);
	s26 =	rddreg [dreg:$0x8]  }
0xa6: {  	(v2sf) =	vpush v1, $0xC;
	[tilespmem:s5], [sflag:$0x2] =	stream.linear.gather [hbm4b:s30+s2], $0x80, $0x38;
	[tilespmem:$0x10400] =	vst v63  }
0xa7: {  	s6 =	sand.u32 $0x1FFFFFF0, s1;
	s7 =	spop (v2sf);
	s5 =	sadd.s32 s3, s31  }
0xa8: {  	(v2sf) =	vpush v63, $0xC;
	s9 =	sadd.s32 s4, s6;
	s11 =	sand.u32 $0x1FFFFFF0, s7;
	s12 =	spop (v2sf)  }
0xa9: {  	[tilespmem:s8], [sflag:$0x1] =	stream.linear.gather [hbm4b:s5+s2], $0x80, $0x38;
	[tilespmem:$0x10400] =	vst v63  }
0xaa: {  	s31 =	rddreg [dreg:$0xc];
	s17 =	sadd.s32 s3, s11;
	s18 =	sand.u32 $0x1FFFFFF0, s12  }
0xab: {  	[tilespmem:s14], [sflag:$0x2] =	stream.linear.gather [hbm4b:s9+s2], $0x80, $0x38;
	[tilespmem:$0x10400] =	vst v63  }
0xac: {  	s25 =	spop (v2sf);
	s11 =	rddreg [dreg:$0xa];
	s28 =	sadd.s32 s4, s18  }
0xad: {  	[tilespmem:s26], [sflag:$0x1] =	stream.linear.gather [hbm4b:s17+s2], $0x80, $0x38;
	[tilespmem:$0x10400] =	vst v63  }
0xae: {  	s29 =	sand.u32 $0x1FFFFFF0, s25;
	s18 =	rddreg [dreg:$0x4];
	s30 =	spop (v2sf)  }
0xaf: {  	[tilespmem:s31], [sflag:$0x2] =	stream.linear.gather [hbm4b:s28+s2], $0x80, $0x38;
	[tilespmem:$0x10400] =	vst v63  }
0xb0: {  	s7 =	sadd.s32 s3, s29;
	s8 =	sand.u32 $0x1FFFFFF0, s30;
	s9 =	spop (v2sf)  }
0xb1: {  	[tilespmem:s11], [sflag:$0x1] =	stream.linear.gather [hbm4b:s7+s2], $0x80, $0x38;
	[tilespmem:$0x10400] =	vst v63  }
0xb2: {  	s29 =	rddreg [dreg:$0xe];
	s12 =	sadd.s32 s4, s8;
	s14 =	sand.u32 $0x1FFFFFF0, s9  }
0xb3: {  	(v2sf) =	vpush v1, $0xD;
	[tilespmem:s18], [sflag:$0x2] =	stream.linear.gather [hbm4b:s12+s2], $0x80, $0x38;
	[tilespmem:$0x10400] =	vst v63  }
.Ltmp0:
0xb4: {  	(v2sf) =	vpush v63, $0xD;
	s17 =	spop (v2sf);
	s25 =	sadd.s32 s3, s14;
	(pc) =	sbr.rel @p0 .LBB2_2-.Ltmp0, $4  }
0xb5: {  	(v2sf) =	vpush v1, $0xE;
	s26 =	sand.u32 $0x1FFFFFF0, s17;
	s28 =	spop (v2sf);
	s31 =	rddreg [dreg:$0x6]  }
0xb6: {  	(v2sf) =	vpush v63, $0xE;
	[tilespmem:s29], [sflag:$0x1] =	stream.linear.gather [hbm4b:s25+s2], $0x80, $0x38;
	[tilespmem:$0x10400] =	vst v63  }
0xb7: {  	(v2sf) =	vpush v1, $0xF;
	s30 =	sadd.s32 s4, s26;
	s0 =	sand.u32 $0x1FFFFFF0, s28;
	s1 =	spop (v2sf)  }
0xb8: {  	(v2sf) =	vpush v63, $0xF;
	[tilespmem:s31], [sflag:$0x2] =	stream.linear.gather [hbm4b:s30+s2], $0x80, $0x38;
	[tilespmem:$0x10400] =	vst v63  }
0xb9: {  	_ =	sdelay $0x4  }
0xba: {  	s0 =	sadd.s32 s3, s0;
	s1 =	sand.u32 $0x1FFFFFF0, s1  }
0xbb: {  	[tilespmem:s24], [sflag:$0x1] =	stream.linear.gather [hbm4b:s0+s2], $0x80, $0x38;
	[tilespmem:$0x10400] =	vst v63  }
0xbc: {  	s7 =	sadd.s32 s4, s1  }
0xbd: {  	[tilespmem:s19], [sflag:$0x2] =	stream.linear.gather [hbm4b:s7+s2], $0x80, $0x38;
	[tilespmem:$0x10400] =	vst v63  }
0xbe: {  	s5 =	spop (v2sf)  }
0xbf: {  	s8 =	sand.u32 $0x1FFFFFF0, s5;
	s9 =	spop (v2sf)  }
0xc0: {  	s11 =	sadd.s32 s3, s8;
	s12 =	sand.u32 $0x1FFFFFF0, s9;
	s14 =	spop (v2sf)  }
0xc1: {  	[tilespmem:s13], [sflag:$0x1] =	stream.linear.gather [hbm4b:s11+s2], $0x80, $0x38;
	[tilespmem:$0x10400] =	vst v63  }
0xc2: {  	s16 =	sadd.s32 s4, s12;
	s17 =	sand.u32 $0x1FFFFFF0, s14;
	s18 =	spop (v2sf)  }
0xc3: {  	[tilespmem:s10], [sflag:$0x2] =	stream.linear.gather [hbm4b:s16+s2], $0x80, $0x38;
	[tilespmem:$0x10400] =	vst v63  }
0xc4: {  	s19 =	sadd.s32 s3, s17;
	s20 =	sand.u32 $0x1FFFFFF0, s18;
	s21 =	spop (v2sf)  }
0xc5: {  	[tilespmem:s23], [sflag:$0x1] =	stream.linear.gather [hbm4b:s19+s2], $0x80, $0x38;
	[tilespmem:$0x10400] =	vst v63  }
0xc6: {  	s24 =	sand.u32 $0x1FFFFFF0, s21;
	s25 =	spop (v2sf);
	s23 =	sadd.s32 s4, s20  }
0xc7: {  	[tilespmem:s22], [sflag:$0x2] =	stream.linear.gather [hbm4b:s23+s2], $0x80, $0x38;
	[tilespmem:$0x10400] =	vst v63  }
0xc8: {  	s26 =	sadd.s32 $0xB80, s15;
	s1 =	sadd.s32 s3, s24;
	s5 =	sand.u32 $0x1FFFFFF0, s25  }
0xc9: {  	[tilespmem:s26], [sflag:$0x1] =	stream.linear.gather [hbm4b:s1+s2], $0x80, $0x38;
	[tilespmem:$0x10400] =	vst v63  }
0xca: {  	s28 =	sadd.s32 $0x8B80, s15;
	s30 =	simm.s32 $0x1;
	s29 =	sadd.s32 s4, s5  }
0xcb: {  	[tilespmem:s28], [sflag:$0x2] =	stream.linear.gather [hbm4b:s29+s2], $0x80, $0x38;
	[tilespmem:$0x10400] =	vst v63  }
0xcc: {  	_ =	swait.ge [sflag:s30], $0x8000  }
0xcd: {  	[sflag:s30] =	ssyncset.done $0x0  }
0xce: {  	s31 =	simm.s32 $0x2;
	[sflag:s30] =	ssyncadd.s32 $0xFFFF8000  }
0xcf: {  	_ =	swait.ge [sflag:s31], $0x8000  }
0xd0: {  	[sflag:s31] =	ssyncset.done $0x0  }
0xd1: {  	s0 =	simm.s32 $0x0;
	[sflag:s31] =	ssyncadd.s32 $0xFFFF8000  }
0xd2: {  	v0 =	vld [tilespmem:s0+$0x8400]  }
0xd3: {  	v1 =	vld [tilespmem:s0+$0x8410]  }
0xd4: {  	s1 =	simm.s32 $0x200;
	v2 =	vld [tilespmem:s0+$0x400]  }
.LBB2_4:
0xd5: {  	p0 =	sne.s32 s1, $0x1FE00;
	v3 =	vld [tilespmem:s0+$0x410];
	_ =	sdelay $0x2  }
.Ltmp1:
0xd6: {  	(pc) =	sbr.rel @p0 .LBB2_4-.Ltmp1, $4  }
0xd7: {  	s5 =	sshra.s32 s1, $0x2;
	v2 =	vmul.f32 v0, v2  }
0xd8: {  	v0 =	vld [tilespmem:s5+$0x8400];
	v3 =	vmul.f32 v1, v3  }
0xd9: {  	v1 =	vld [tilespmem:s5+$0x8410];
	[tilespmem:s0+$0x400] =	vst v2  }
0xda: {  	s1 =	sadd.s32 $0x200, s1;
	v2 =	vld [tilespmem:s5+$0x400];
	[tilespmem:s0+$0x410] =	vst v3;
	s0 =	smov.u32 s5  }
0xdb: {  	v3 =	vld [tilespmem:s0+$0x410];
	_ =	sdelay $0x3  }
0xdc: {  	v0 =	vmul.f32 v0, v2  }
0xdd: {  	v1 =	vmul.f32 v1, v3  }
0xde: {  	s22 =	simm.s32 $0x0;
	[tilespmem:s0+$0x400] =	vst v0  }
0xdf: {  	s1 =	rddreg [dreg:$0x18];
	s5 =	simm.s32 $0x400;
	s23 =	simm.s32 $0x3;
	[tilespmem:s0+$0x410] =	vst v1  }
0xe0: {  	[hbm4b:s1+s22] =	stream.linear.scatter [tilespmem:s5], [sflag:$0x3], $0x8000, $0x38;
	[tilespmem:$0x10400] =	vst v63  }
0xe1: {  	_ =	swait.ge [sflag:s23], $0x8000  }
0xe2: {  	[sflag:s23] =	ssyncset.done $0x0  }
0xe3: {  	s24 =	simm.s32 $0x100;
	[sflag:s23] =	ssyncadd.s32 $0xFFFF8000  }
0xe4: {  	s25 =	simm.s32 $0x300;
	v60 =	vld [tilespmem:s24+$0x0]  }
0xe5: {  	v61 =	vld [tilespmem:s25+$0x0];
	_ =	sdelay $0x3  }
0xe6: {  	v62 =	vshll.u32 v60, $0x4  }
0xe7: {  	v63 =	vshll.u32 v61, $0x4;
	(v2sf) =	vpush v62, $0x0  }
0xe8: {  	(v2sf) =	vpush v63, $0x0  }
0xe9: {  	(v2sf) =	vpush v62, $0x1;
	_ =	sdelay $0x1  }
0xea: {  	(v2sf) =	vpush v63, $0x1;
	_ =	sdelay $0x3  }
0xeb: {  	(v2sf) =	vpush v62, $0x2;
	_ =	sdelay $0x1  }
0xec: {  	(v2sf) =	vpush v63, $0x2  }
0xed: {  	s16 =	simm.s32 $0x2000;
	(v2sf) =	vpush v62, $0x3  }
0xee: {  	s15 =	simm.s32 $0x0;
	s6 =	simm.s32 $0x8400;
	s7 =	simm.s32 $0x400  }
0xef: {  	s9 =	simm.s32 $0x600;
	s10 =	simm.s32 $0x580;
	s29 =	simm.s32 $0x480  }
0xf0: {  	s13 =	simm.s32 $0x500;
	s18 =	simm.s32 $0x8500;
	s0 =	simm.s32 $0x8900  }
0xf1: {  	s5 =	simm.s32 $0x680;
	s1 =	simm.s32 $0x880;
	s8 =	spop (v2sf);
	(v2sf) =	vpush v63, $0x3  }
0xf2: {  	s23 =	simm.s32 $0x8600;
	s8 =	sand.u32 $0x1FFFFFF0, s8;
	s11 =	spop (v2sf)  }
0xf3: {  	(v2sf) =	vpush v62, $0x4;
	s8 =	sadd.s32 s3, s8;
	s26 =	sand.u32 $0x1FFFFFF0, s11;
	s28 =	spop (v2sf)  }
0xf4: {  	(v2sf) =	vpush v63, $0x4;
	[tilespmem:s7], [sflag:$0x1] =	stream.linear.gather [hbm4b:s8+s2], $0x80, $0x38;
	[tilespmem:$0x10400] =	vst v63  }
0xf5: {  	s8 =	sadd.s32 s4, s26;
	s11 =	sand.u32 $0x1FFFFFF0, s28;
	s12 =	spop (v2sf)  }
0xf6: {  	(v2sf) =	vpush v62, $0x5;
	[tilespmem:s6], [sflag:$0x2] =	stream.linear.gather [hbm4b:s8+s2], $0x80, $0x38;
	[tilespmem:$0x10400] =	vst v63  }
0xf7: {  	s7 =	simm.s32 $0x8580;
	s30 =	sadd.s32 s3, s11;
	s31 =	sand.u32 $0x1FFFFFF0, s12;
	(v2sf) =	vpush v63, $0x5  }
0xf8: {  	[tilespmem:s29], [sflag:$0x1] =	stream.linear.gather [hbm4b:s30+s2], $0x80, $0x38;
	[tilespmem:$0x10400] =	vst v63  }
0xf9: {  	s12 =	spop (v2sf);
	s8 =	simm.s32 $0x8480;
	s11 =	sadd.s32 s4, s31;
	(v2sf) =	vpush v62, $0x6  }
0xfa: {  	[tilespmem:s8], [sflag:$0x2] =	stream.linear.gather [hbm4b:s11+s2], $0x80, $0x38;
	[tilespmem:$0x10400] =	vst v63  }
0xfb: {  	s14 =	spop (v2sf);
	s31 =	simm.s32 $0x700;
	s8 =	sand.u32 $0x1FFFFFF0, s12  }
0xfc: {  	s17 =	spop (v2sf);
	s11 =	sand.u32 $0x1FFFFFF0, s14;
	s8 =	sadd.s32 s3, s8  }
0xfd: {  	(v2sf) =	vpush v63, $0x6;
	[tilespmem:s13], [sflag:$0x1] =	stream.linear.gather [hbm4b:s8+s2], $0x80, $0x38;
	[tilespmem:$0x10400] =	vst v63  }
0xfe: {  	s20 =	sand.u32 $0x1FFFFFF0, s17;
	s29 =	simm.s32 $0x8680;
	s19 =	sadd.s32 s4, s11  }
0xff: {  	[tilespmem:s18], [sflag:$0x2] =	stream.linear.gather [hbm4b:s19+s2], $0x80, $0x38;
	[tilespmem:$0x10400] =	vst v63  }
0x100: {  	s22 =	sadd.s32 s3, s20;
	s20 =	simm.s32 $0x8700;
	s21 =	spop (v2sf)  }
0x101: {  	(v2sf) =	vpush v62, $0x7;
	[tilespmem:s10], [sflag:$0x1] =	stream.linear.gather [hbm4b:s22+s2], $0x80, $0x38;
	[tilespmem:$0x10400] =	vst v63  }
0x102: {  	s13 =	simm.s32 $0xA80;
	s6 =	sand.u32 $0x1FFFFFF0, s21;
	s24 =	spop (v2sf)  }
0x103: {  	s19 =	simm.s32 $0x8A00;
	(v2sf) =	vpush v63, $0x7;
	s6 =	sadd.s32 s4, s6;
	s25 =	spop (v2sf)  }
0x104: {  	(v2sf) =	vpush v62, $0x8;
	[tilespmem:s7], [sflag:$0x2] =	stream.linear.gather [hbm4b:s6+s2], $0x80, $0x38;
	[tilespmem:$0x10400] =	vst v63  }
0x105: {  	s10 =	sand.u32 $0x1FFFFFF0, s24;
	s28 =	sand.u32 $0x1FFFFFF0, s25;
	s30 =	spop (v2sf)  }
0x106: {  	s26 =	sadd.s32 s3, s10;
	(v2sf) =	vpush v63, $0x8;
	s7 =	sadd.s32 s4, s28;
	s10 =	spop (v2sf)  }
0x107: {  	(v2sf) =	vpush v62, $0x9;
	[tilespmem:s9], [sflag:$0x1] =	stream.linear.gather [hbm4b:s26+s2], $0x80, $0x38;
	[tilespmem:$0x10400] =	vst v63  }
0x108: {  	s9 =	sand.u32 $0x1FFFFFF0, s30;
	s11 =	spop (v2sf);
	s26 =	simm.s32 $0x8780  }
0x109: {  	(v2sf) =	vpush v63, $0x9;
	[tilespmem:s23], [sflag:$0x2] =	stream.linear.gather [hbm4b:s7+s2], $0x80, $0x38;
	[tilespmem:$0x10400] =	vst v63  }
0x10a: {  	s8 =	sadd.s32 s3, s9;
	s9 =	sand.u32 $0x1FFFFFF0, s10;
	s14 =	sand.u32 $0x1FFFFFF0, s11;
	(v2sf) =	vpush v62, $0xA  }
0x10b: {  	[tilespmem:s5], [sflag:$0x1] =	stream.linear.gather [hbm4b:s8+s2], $0x80, $0x38;
	[tilespmem:$0x10400] =	vst v63  }
0x10c: {  	s10 =	simm.s32 $0x8A80;
	s17 =	spop (v2sf);
	s12 =	sadd.s32 s4, s9;
	(v2sf) =	vpush v63, $0xA  }
0x10d: {  	[tilespmem:s29], [sflag:$0x2] =	stream.linear.gather [hbm4b:s12+s2], $0x80, $0x38;
	[tilespmem:$0x10400] =	vst v63  }
0x10e: {  	s11 =	simm.s32 $0x8880;
	s18 =	sadd.s32 s3, s14;
	s6 =	sand.u32 $0x1FFFFFF0, s17  }
0x10f: {  	[tilespmem:s31], [sflag:$0x1] =	stream.linear.gather [hbm4b:s18+s2], $0x80, $0x38;
	[tilespmem:$0x10400] =	vst v63  }
0x110: {  	s23 =	simm.s32 $0x780;
	s6 =	sadd.s32 s4, s6;
	s21 =	spop (v2sf)  }
0x111: {  	[tilespmem:s20], [sflag:$0x2] =	stream.linear.gather [hbm4b:s6+s2], $0x80, $0x38;
	[tilespmem:$0x10400] =	vst v63  }
0x112: {  	s14 =	simm.s32 $0x900;
	(v2sf) =	vpush v62, $0xB;
	s8 =	sand.u32 $0x1FFFFFF0, s21;
	s22 =	spop (v2sf)  }
0x113: {  	s5 =	simm.s32 $0x8980;
	s24 =	sadd.s32 s3, s8;
	s28 =	spop (v2sf)  }
0x114: {  	(v2sf) =	vpush v63, $0xB;
	[tilespmem:s23], [sflag:$0x1] =	stream.linear.gather [hbm4b:s24+s2], $0x80, $0x38;
	[tilespmem:$0x10400] =	vst v63  }
0x115: {  	s29 =	simm.s32 $0x800;
	s25 =	sand.u32 $0x1FFFFFF0, s22;
	s30 =	spop (v2sf)  }
0x116: {  	s8 =	sadd.s32 s4, s25;
	s7 =	sand.u32 $0x1FFFFFF0, s28;
	s31 =	spop (v2sf)  }
0x117: {  	(v2sf) =	vpush v62, $0xC;
	[tilespmem:s26], [sflag:$0x2] =	stream.linear.gather [hbm4b:s8+s2], $0x80, $0x38;
	[tilespmem:$0x10400] =	vst v63  }
0x118: {  	s7 =	sadd.s32 s3, s7;
	s8 =	sand.u32 $0x1FFFFFF0, s30;
	s12 =	spop (v2sf)  }
0x119: {  	(v2sf) =	vpush v63, $0xC;
	s9 =	sand.u32 $0x1FFFFFF0, s31;
	s26 =	simm.s32 $0x980;
	s17 =	spop (v2sf)  }
0x11a: {  	[tilespmem:s29], [sflag:$0x1] =	stream.linear.gather [hbm4b:s7+s2], $0x80, $0x38;
	[tilespmem:$0x10400] =	vst v63  }
0x11b: {  	s8 =	sadd.s32 s4, s8;
	s7 =	simm.s32 $0x8800;
	s18 =	spop (v2sf)  }
0x11c: {  	[tilespmem:s7], [sflag:$0x2] =	stream.linear.gather [hbm4b:s8+s2], $0x80, $0x38;
	[tilespmem:$0x10400] =	vst v63  }
0x11d: {  	s21 =	sand.u32 $0x1FFFFFF0, s18;
	s8 =	sadd.s32 s3, s9;
	s7 =	sand.u32 $0x1FFFFFF0, s12  }
0x11e: {  	[tilespmem:s1], [sflag:$0x1] =	stream.linear.gather [hbm4b:s8+s2], $0x80, $0x38;
	[tilespmem:$0x10400] =	vst v63  }
0x11f: {  	s23 =	sadd.s32 s4, s21;
	s7 =	sadd.s32 s4, s7;
	s8 =	sand.u32 $0x1FFFFFF0, s17  }
0x120: {  	[tilespmem:s11], [sflag:$0x2] =	stream.linear.gather [hbm4b:s7+s2], $0x80, $0x38;
	[tilespmem:$0x10400] =	vst v63  }
0x121: {  	s21 =	simm.s32 $0x310;
	s20 =	sadd.s32 s3, s8;
	s22 =	spop (v2sf)  }
0x122: {  	[tilespmem:s14], [sflag:$0x1] =	stream.linear.gather [hbm4b:s20+s2], $0x80, $0x38;
	[tilespmem:$0x10400] =	vst v63  }
0x123: {  	s20 =	simm.s32 $0x110;
	s24 =	sand.u32 $0x1FFFFFF0, s22;
	s25 =	spop (v2sf)  }
0x124: {  	(v2sf) =	vpush v62, $0xD;
	[tilespmem:s0], [sflag:$0x2] =	stream.linear.gather [hbm4b:s23+s2], $0x80, $0x38;
	[tilespmem:$0x10400] =	vst v63  }
0x125: {  	(v2sf) =	vpush v63, $0xD;
	s22 =	simm.s32 $0x8B00;
	s28 =	sadd.s32 s3, s24;
	s29 =	sand.u32 $0x1FFFFFF0, s25  }
0x126: {  	s24 =	simm.s32 $0xA00;
	(v2sf) =	vpush v62, $0xE;
	s23 =	simm.s32 $0xB00;
	s31 =	spop (v2sf)  }
0x127: {  	(v2sf) =	vpush v63, $0xE;
	[tilespmem:s26], [sflag:$0x1] =	stream.linear.gather [hbm4b:s28+s2], $0x80, $0x38;
	[tilespmem:$0x10400] =	vst v63  }
0x128: {  	s30 =	sadd.s32 s4, s29;
	(v2sf) =	vpush v62, $0xF;
	s0 =	sand.u32 $0x1FFFFFF0, s31;
	s1 =	spop (v2sf)  }
0x129: {  	(v2sf) =	vpush v63, $0xF;
	[tilespmem:s5], [sflag:$0x2] =	stream.linear.gather [hbm4b:s30+s2], $0x80, $0x38;
	[tilespmem:$0x10400] =	vst v63  }
.LBB2_6:
0x12a: {  	_ =	sdelay $0x4  }
0x12b: {  	s0 =	sadd.s32 s3, s0;
	s1 =	sand.u32 $0x1FFFFFF0, s1  }
0x12c: {  	[tilespmem:s24], [sflag:$0x1] =	stream.linear.gather [hbm4b:s0+s2], $0x80, $0x38;
	[tilespmem:$0x10400] =	vst v63  }
0x12d: {  	s25 =	sadd.s32 s4, s1  }
0x12e: {  	[tilespmem:s19], [sflag:$0x2] =	stream.linear.gather [hbm4b:s25+s2], $0x80, $0x38;
	[tilespmem:$0x10400] =	vst v63  }
0x12f: {  	s5 =	spop (v2sf)  }
0x130: {  	s26 =	sand.u32 $0x1FFFFFF0, s5;
	s28 =	spop (v2sf)  }
0x131: {  	s29 =	sadd.s32 s3, s26;
	s30 =	sand.u32 $0x1FFFFFF0, s28;
	s31 =	spop (v2sf)  }
0x132: {  	[tilespmem:s13], [sflag:$0x1] =	stream.linear.gather [hbm4b:s29+s2], $0x80, $0x38;
	[tilespmem:$0x10400] =	vst v63  }
0x133: {  	s1 =	sadd.s32 s4, s30;
	s5 =	sand.u32 $0x1FFFFFF0, s31;
	s6 =	spop (v2sf)  }
0x134: {  	[tilespmem:s10], [sflag:$0x2] =	stream.linear.gather [hbm4b:s1+s2], $0x80, $0x38;
	[tilespmem:$0x10400] =	vst v63  }
0x135: {  	s7 =	sadd.s32 s3, s5;
	s8 =	sand.u32 $0x1FFFFFF0, s6;
	s9 =	spop (v2sf)  }
0x136: {  	[tilespmem:s23], [sflag:$0x1] =	stream.linear.gather [hbm4b:s7+s2], $0x80, $0x38;
	[tilespmem:$0x10400] =	vst v63  }
0x137: {  	s10 =	sadd.s32 s4, s8;
	s11 =	sand.u32 $0x1FFFFFF0, s9;
	s12 =	spop (v2sf)  }
0x138: {  	[tilespmem:s22], [sflag:$0x2] =	stream.linear.gather [hbm4b:s10+s2], $0x80, $0x38;
	[tilespmem:$0x10400] =	vst v63  }
0x139: {  	s13 =	sadd.s32 $0xB80, s15;
	s1 =	sadd.s32 s3, s11;
	s5 =	sand.u32 $0x1FFFFFF0, s12  }
0x13a: {  	[tilespmem:s13], [sflag:$0x1] =	stream.linear.gather [hbm4b:s1+s2], $0x80, $0x38;
	[tilespmem:$0x10400] =	vst v63  }
0x13b: {  	s14 =	sadd.s32 $0x8B80, s15;
	s15 =	sadd.s32 s4, s5  }
0x13c: {  	[tilespmem:s14], [sflag:$0x2] =	stream.linear.gather [hbm4b:s15+s2], $0x80, $0x38;
	[tilespmem:$0x10400] =	vst v63  }
0x13d: {  	v0 =	vld [tilespmem:s20+$0x0]  }
0x13e: {  	v2 =	vld [tilespmem:s21+$0x0];
	_ =	sdelay $0x3  }
0x13f: {  	v1 =	vshll.u32 v0, $0x4  }
0x140: {  	s17 =	smov.u32 s16;
	v63 =	vshll.u32 v2, $0x4;
	(v2sf) =	vpush v1, $0x0  }
0x141: {  	s15 =	sshra.s32 s17, $0x2;
	(v2sf) =	vpush v63, $0x0  }
0x142: {  	p0 =	sne.s32 s16, $0x1E000;
	s16 =	sadd.s32 $0x2000, s16;
	s26 =	sadd.s32 $0x8400, s15;
	(v2sf) =	vpush v1, $0x1  }
0x143: {  	s0 =	sadd.s32 $0x680, s15;
	s18 =	sadd.s32 $0x880, s15;
	s29 =	sadd.s32 $0x400, s15  }
0x144: {  	s11 =	sadd.s32 $0x600, s15;
	s19 =	sadd.s32 $0x8900, s15;
	s14 =	sadd.s32 $0x580, s15;
	(v2sf) =	vpush v63, $0x1  }
0x145: {  	s10 =	sadd.s32 $0x8580, s15;
	s25 =	sadd.s32 $0x500, s15;
	s12 =	sadd.s32 $0x8600, s15  }
0x146: {  	s13 =	sadd.s32 $0xA80, s15;
	s28 =	sadd.s32 $0x8480, s15;
	s17 =	sadd.s32 $0x8500, s15;
	(v2sf) =	vpush v1, $0x2  }
0x147: {  	s9 =	sadd.s32 $0x8680, s15;
	s8 =	sadd.s32 $0x700, s15;
	[dreg:$0x15] =	wrdreg s0  }
0x148: {  	s22 =	sadd.s32 $0x8980, s15;
	s1 =	sadd.s32 $0x8A80, s15;
	[dreg:$0x9] =	wrdreg s18;
	(v2sf) =	vpush v63, $0x2  }
0x149: {  	s7 =	sadd.s32 $0x8700, s15;
	s23 =	sadd.s32 $0x8880, s15;
	[dreg:$0x5] =	wrdreg s19  }
0x14a: {  	s24 =	sadd.s32 $0x900, s15;
	s6 =	sadd.s32 $0x780, s15;
	[dreg:$0x7] =	wrdreg s22;
	(v2sf) =	vpush v1, $0x3  }
0x14b: {  	s30 =	sadd.s32 $0x8800, s15;
	s5 =	sadd.s32 $0x8780, s15;
	[dreg:$0xd] =	wrdreg s23  }
0x14c: {  	s31 =	sadd.s32 $0x800, s15;
	s20 =	sadd.s32 $0x10, s20;
	[dreg:$0xb] =	wrdreg s24;
	(v2sf) =	vpush v63, $0x3  }
0x14d: {  	s21 =	sadd.s32 $0x10, s21;
	s19 =	sadd.s32 $0x8A00, s15;
	[dreg:$0x11] =	wrdreg s30  }
0x14e: {  	s24 =	sadd.s32 $0xA00, s15;
	s30 =	sadd.s32 $0x480, s15;
	[dreg:$0x13] =	wrdreg s31;
	(v2sf) =	vpush v1, $0x4  }
0x14f: {  	s23 =	sadd.s32 $0xB00, s15;
	s18 =	sadd.s32 $0x980, s15;
	s31 =	spop (v2sf)  }
0x150: {  	[dreg:$0xf] =	wrdreg s18;
	s31 =	sand.u32 $0x1FFFFFF0, s31;
	s18 =	spop (v2sf);
	(v2sf) =	vpush v63, $0x4  }
0x151: {  	s31 =	sadd.s32 s3, s31;
	s18 =	sand.u32 $0x1FFFFFF0, s18;
	s0 =	spop (v2sf)  }
0x152: {  	(v2sf) =	vpush v1, $0x5;
	[tilespmem:s29], [sflag:$0x1] =	stream.linear.gather [hbm4b:s31+s2], $0x80, $0x38;
	[tilespmem:$0x10400] =	vst v63  }
0x153: {  	s18 =	sadd.s32 s4, s18;
	s0 =	sand.u32 $0x1FFFFFF0, s0;
	s31 =	spop (v2sf);
	(v2sf) =	vpush v63, $0x5  }
0x154: {  	[tilespmem:s26], [sflag:$0x2] =	stream.linear.gather [hbm4b:s18+s2], $0x80, $0x38;
	[tilespmem:$0x10400] =	vst v63  }
0x155: {  	s0 =	sadd.s32 s3, s0;
	s29 =	sand.u32 $0x1FFFFFF0, s31;
	s31 =	spop (v2sf);
	(v2sf) =	vpush v1, $0x6  }
0x156: {  	[tilespmem:s30], [sflag:$0x1] =	stream.linear.gather [hbm4b:s0+s2], $0x80, $0x38;
	[tilespmem:$0x10400] =	vst v63  }
0x157: {  	s29 =	sadd.s32 s4, s29;
	s30 =	sand.u32 $0x1FFFFFF0, s31;
	s31 =	spop (v2sf);
	(v2sf) =	vpush v63, $0x6  }
0x158: {  	[tilespmem:s28], [sflag:$0x2] =	stream.linear.gather [hbm4b:s29+s2], $0x80, $0x38;
	[tilespmem:$0x10400] =	vst v63  }
0x159: {  	s29 =	sadd.s32 s3, s30;
	s30 =	sand.u32 $0x1FFFFFF0, s31;
	s31 =	spop (v2sf)  }
0x15a: {  	(v2sf) =	vpush v1, $0x7;
	[tilespmem:s25], [sflag:$0x1] =	stream.linear.gather [hbm4b:s29+s2], $0x80, $0x38;
	[tilespmem:$0x10400] =	vst v63  }
0x15b: {  	s26 =	sand.u32 $0x1FFFFFF0, s31;
	s28 =	spop (v2sf);
	s25 =	sadd.s32 s4, s30  }
0x15c: {  	(v2sf) =	vpush v63, $0x7;
	[tilespmem:s17], [sflag:$0x2] =	stream.linear.gather [hbm4b:s25+s2], $0x80, $0x38;
	[tilespmem:$0x10400] =	vst v63  }
0x15d: {  	s29 =	sadd.s32 s3, s26;
	s30 =	sand.u32 $0x1FFFFFF0, s28;
	s31 =	spop (v2sf)  }
0x15e: {  	(v2sf) =	vpush v1, $0x8;
	[tilespmem:s14], [sflag:$0x1] =	stream.linear.gather [hbm4b:s29+s2], $0x80, $0x38;
	[tilespmem:$0x10400] =	vst v63  }
0x15f: {  	s26 =	sand.u32 $0x1FFFFFF0, s31;
	s25 =	sadd.s32 s4, s30;
	s28 =	spop (v2sf)  }
0x160: {  	[tilespmem:s10], [sflag:$0x2] =	stream.linear.gather [hbm4b:s25+s2], $0x80, $0x38;
	[tilespmem:$0x10400] =	vst v63  }
0x161: {  	s22 =	sadd.s32 $0x8B00, s15;
	s29 =	sadd.s32 s3, s26;
	s31 =	spop (v2sf)  }
0x162: {  	(v2sf) =	vpush v63, $0x8;
	s30 =	sand.u32 $0x1FFFFFF0, s28;
	s28 =	rddreg [dreg:$0x15];
	s17 =	spop (v2sf)  }
0x163: {  	[tilespmem:s11], [sflag:$0x1] =	stream.linear.gather [hbm4b:s29+s2], $0x80, $0x38;
	[tilespmem:$0x10400] =	vst v63  }
0x164: {  	(v2sf) =	vpush v1, $0x9;
	s14 =	sand.u32 $0x1FFFFFF0, s31;
	s11 =	sadd.s32 s4, s30;
	s26 =	spop (v2sf)  }
0x165: {  	(v2sf) =	vpush v63, $0x9;
	[tilespmem:s12], [sflag:$0x2] =	stream.linear.gather [hbm4b:s11+s2], $0x80, $0x38;
	[tilespmem:$0x10400] =	vst v63  }
0x166: {  	s18 =	sadd.s32 s3, s14;
	s25 =	sand.u32 $0x1FFFFFF0, s17;
	s31 =	spop (v2sf)  }
0x167: {  	[tilespmem:s28], [sflag:$0x1] =	stream.linear.gather [hbm4b:s18+s2], $0x80, $0x38;
	[tilespmem:$0x10400] =	vst v63  }
0x168: {  	s29 =	sadd.s32 s4, s25;
	s30 =	sand.u32 $0x1FFFFFF0, s26;
	s12 =	sand.u32 $0x1FFFFFF0, s31  }
0x169: {  	(v2sf) =	vpush v1, $0xA;
	s10 =	sadd.s32 s3, s30;
	s14 =	spop (v2sf);
	s17 =	sadd.s32 s4, s12  }
0x16a: {  	[tilespmem:s9], [sflag:$0x2] =	stream.linear.gather [hbm4b:s29+s2], $0x80, $0x38;
	[tilespmem:$0x10400] =	vst v63  }
0x16b: {  	(v2sf) =	vpush v63, $0xA;
	s18 =	sand.u32 $0x1FFFFFF0, s14;
	s25 =	spop (v2sf);
	s14 =	rddreg [dreg:$0x11]  }
0x16c: {  	[tilespmem:s8], [sflag:$0x1] =	stream.linear.gather [hbm4b:s10+s2], $0x80, $0x38;
	[tilespmem:$0x10400] =	vst v63  }
0x16d: {  	(v2sf) =	vpush v1, $0xB;
	s26 =	sadd.s32 s3, s18;
	s28 =	sand.u32 $0x1FFFFFF0, s25;
	s29 =	spop (v2sf)  }
0x16e: {  	[tilespmem:s7], [sflag:$0x2] =	stream.linear.gather [hbm4b:s17+s2], $0x80, $0x38;
	[tilespmem:$0x10400] =	vst v63  }
0x16f: {  	s10 =	smov.u32 s1;
	s30 =	sadd.s32 s4, s28;
	s8 =	rddreg [dreg:$0x13]  }
0x170: {  	[tilespmem:s6], [sflag:$0x1] =	stream.linear.gather [hbm4b:s26+s2], $0x80, $0x38;
	[tilespmem:$0x10400] =	vst v63  }
0x171: {  	(v2sf) =	vpush v63, $0xB;
	s31 =	sand.u32 $0x1FFFFFF0, s29;
	s1 =	spop (v2sf);
	s26 =	rddreg [dreg:$0x9]  }
0x172: {  	(v2sf) =	vpush v1, $0xC;
	[tilespmem:s5], [sflag:$0x2] =	stream.linear.gather [hbm4b:s30+s2], $0x80, $0x38;
	[tilespmem:$0x10400] =	vst v63  }
0x173: {  	s6 =	sand.u32 $0x1FFFFFF0, s1;
	s7 =	spop (v2sf);
	s5 =	sadd.s32 s3, s31  }
0x174: {  	(v2sf) =	vpush v63, $0xC;
	s9 =	sadd.s32 s4, s6;
	s11 =	sand.u32 $0x1FFFFFF0, s7;
	s12 =	spop (v2sf)  }
0x175: {  	[tilespmem:s8], [sflag:$0x1] =	stream.linear.gather [hbm4b:s5+s2], $0x80, $0x38;
	[tilespmem:$0x10400] =	vst v63  }
0x176: {  	s31 =	rddreg [dreg:$0xd];
	s17 =	sadd.s32 s3, s11;
	s18 =	sand.u32 $0x1FFFFFF0, s12  }
0x177: {  	[tilespmem:s14], [sflag:$0x2] =	stream.linear.gather [hbm4b:s9+s2], $0x80, $0x38;
	[tilespmem:$0x10400] =	vst v63  }
0x178: {  	s25 =	spop (v2sf);
	s11 =	rddreg [dreg:$0xb];
	s28 =	sadd.s32 s4, s18  }
0x179: {  	[tilespmem:s26], [sflag:$0x1] =	stream.linear.gather [hbm4b:s17+s2], $0x80, $0x38;
	[tilespmem:$0x10400] =	vst v63  }
0x17a: {  	s29 =	sand.u32 $0x1FFFFFF0, s25;
	s18 =	rddreg [dreg:$0x5];
	s30 =	spop (v2sf)  }
0x17b: {  	[tilespmem:s31], [sflag:$0x2] =	stream.linear.gather [hbm4b:s28+s2], $0x80, $0x38;
	[tilespmem:$0x10400] =	vst v63  }
0x17c: {  	s7 =	sadd.s32 s3, s29;
	s8 =	sand.u32 $0x1FFFFFF0, s30;
	s9 =	spop (v2sf)  }
0x17d: {  	[tilespmem:s11], [sflag:$0x1] =	stream.linear.gather [hbm4b:s7+s2], $0x80, $0x38;
	[tilespmem:$0x10400] =	vst v63  }
0x17e: {  	s29 =	rddreg [dreg:$0xf];
	s12 =	sadd.s32 s4, s8;
	s14 =	sand.u32 $0x1FFFFFF0, s9  }
0x17f: {  	(v2sf) =	vpush v1, $0xD;
	[tilespmem:s18], [sflag:$0x2] =	stream.linear.gather [hbm4b:s12+s2], $0x80, $0x38;
	[tilespmem:$0x10400] =	vst v63  }
.Ltmp2:
0x180: {  	(v2sf) =	vpush v63, $0xD;
	s17 =	spop (v2sf);
	s25 =	sadd.s32 s3, s14;
	(pc) =	sbr.rel @p0 .LBB2_6-.Ltmp2, $4  }
0x181: {  	(v2sf) =	vpush v1, $0xE;
	s26 =	sand.u32 $0x1FFFFFF0, s17;
	s28 =	spop (v2sf);
	s31 =	rddreg [dreg:$0x7]  }
0x182: {  	(v2sf) =	vpush v63, $0xE;
	[tilespmem:s29], [sflag:$0x1] =	stream.linear.gather [hbm4b:s25+s2], $0x80, $0x38;
	[tilespmem:$0x10400] =	vst v63  }
0x183: {  	(v2sf) =	vpush v1, $0xF;
	s30 =	sadd.s32 s4, s26;
	s0 =	sand.u32 $0x1FFFFFF0, s28;
	s1 =	spop (v2sf)  }
0x184: {  	(v2sf) =	vpush v63, $0xF;
	[tilespmem:s31], [sflag:$0x2] =	stream.linear.gather [hbm4b:s30+s2], $0x80, $0x38;
	[tilespmem:$0x10400] =	vst v63  }
0x185: {  	_ =	sdelay $0x4  }
0x186: {  	s0 =	sadd.s32 s3, s0;
	s1 =	sand.u32 $0x1FFFFFF0, s1  }
0x187: {  	[tilespmem:s24], [sflag:$0x1] =	stream.linear.gather [hbm4b:s0+s2], $0x80, $0x38;
	[tilespmem:$0x10400] =	vst v63  }
0x188: {  	s7 =	sadd.s32 s4, s1  }
0x189: {  	[tilespmem:s19], [sflag:$0x2] =	stream.linear.gather [hbm4b:s7+s2], $0x80, $0x38;
	[tilespmem:$0x10400] =	vst v63  }
0x18a: {  	s5 =	spop (v2sf)  }
0x18b: {  	s8 =	sand.u32 $0x1FFFFFF0, s5;
	s9 =	spop (v2sf)  }
0x18c: {  	s11 =	sadd.s32 s3, s8;
	s12 =	sand.u32 $0x1FFFFFF0, s9;
	s14 =	spop (v2sf)  }
0x18d: {  	[tilespmem:s13], [sflag:$0x1] =	stream.linear.gather [hbm4b:s11+s2], $0x80, $0x38;
	[tilespmem:$0x10400] =	vst v63  }
0x18e: {  	s16 =	sadd.s32 s4, s12;
	s17 =	sand.u32 $0x1FFFFFF0, s14;
	s18 =	spop (v2sf)  }
0x18f: {  	[tilespmem:s10], [sflag:$0x2] =	stream.linear.gather [hbm4b:s16+s2], $0x80, $0x38;
	[tilespmem:$0x10400] =	vst v63  }
0x190: {  	s19 =	sadd.s32 s3, s17;
	s20 =	sand.u32 $0x1FFFFFF0, s18;
	s21 =	spop (v2sf)  }
0x191: {  	[tilespmem:s23], [sflag:$0x1] =	stream.linear.gather [hbm4b:s19+s2], $0x80, $0x38;
	[tilespmem:$0x10400] =	vst v63  }
0x192: {  	s24 =	sand.u32 $0x1FFFFFF0, s21;
	s25 =	spop (v2sf);
	s23 =	sadd.s32 s4, s20  }
0x193: {  	[tilespmem:s22], [sflag:$0x2] =	stream.linear.gather [hbm4b:s23+s2], $0x80, $0x38;
	[tilespmem:$0x10400] =	vst v63  }
0x194: {  	s26 =	sadd.s32 $0xB80, s15;
	s1 =	sadd.s32 s3, s24;
	s5 =	sand.u32 $0x1FFFFFF0, s25  }
0x195: {  	[tilespmem:s26], [sflag:$0x1] =	stream.linear.gather [hbm4b:s1+s2], $0x80, $0x38;
	[tilespmem:$0x10400] =	vst v63  }
0x196: {  	s28 =	sadd.s32 $0x8B80, s15;
	s30 =	simm.s32 $0x1;
	s29 =	sadd.s32 s4, s5  }
0x197: {  	[tilespmem:s28], [sflag:$0x2] =	stream.linear.gather [hbm4b:s29+s2], $0x80, $0x38;
	[tilespmem:$0x10400] =	vst v63  }
0x198: {  	_ =	swait.ge [sflag:s30], $0x8000  }
0x199: {  	[sflag:s30] =	ssyncset.done $0x0  }
0x19a: {  	s31 =	simm.s32 $0x2;
	[sflag:s30] =	ssyncadd.s32 $0xFFFF8000  }
0x19b: {  	_ =	swait.ge [sflag:s31], $0x8000  }
0x19c: {  	[sflag:s31] =	ssyncset.done $0x0  }
0x19d: {  	s0 =	simm.s32 $0x0;
	[sflag:s31] =	ssyncadd.s32 $0xFFFF8000  }
0x19e: {  	v0 =	vld [tilespmem:s0+$0x8400]  }
0x19f: {  	v1 =	vld [tilespmem:s0+$0x8410]  }
0x1a0: {  	s1 =	simm.s32 $0x200;
	v2 =	vld [tilespmem:s0+$0x400]  }
.LBB2_8:
0x1a1: {  	p0 =	sne.s32 s1, $0x1FE00;
	v3 =	vld [tilespmem:s0+$0x410];
	_ =	sdelay $0x2  }
.Ltmp3:
0x1a2: {  	(pc) =	sbr.rel @p0 .LBB2_8-.Ltmp3, $4  }
0x1a3: {  	s5 =	sshra.s32 s1, $0x2;
	v2 =	vmul.f32 v0, v2  }
0x1a4: {  	v0 =	vld [tilespmem:s5+$0x8400];
	v3 =	vmul.f32 v1, v3  }
0x1a5: {  	v1 =	vld [tilespmem:s5+$0x8410];
	[tilespmem:s0+$0x400] =	vst v2  }
0x1a6: {  	s1 =	sadd.s32 $0x200, s1;
	v2 =	vld [tilespmem:s5+$0x400];
	[tilespmem:s0+$0x410] =	vst v3;
	s0 =	smov.u32 s5  }
0x1a7: {  	v3 =	vld [tilespmem:s0+$0x410];
	_ =	sdelay $0x3  }
0x1a8: {  	v0 =	vmul.f32 v0, v2  }
0x1a9: {  	v1 =	vmul.f32 v1, v3  }
0x1aa: {  	[tilespmem:s0+$0x400] =	vst v0  }
0x1ab: {  	s29 =	rddreg [dreg:$0x19];
	s1 =	simm.s32 $0x400;
	s5 =	simm.s32 $0x3;
	[tilespmem:s0+$0x410] =	vst v1  }
0x1ac: {  	[hbm4b:s29+s2] =	stream.linear.scatter [tilespmem:s1], [sflag:$0x3], $0x8000, $0x38;
	[tilespmem:$0x10400] =	vst v63  }
0x1ad: {  	_ =	swait.ge [sflag:s5], $0x8000  }
0x1ae: {  	s30 =	rddreg [dreg:$0x1b]  }
0x1af: {  	s31 =	rddreg [dreg:$0x1a];
	s1 =	sadd.s32 $0x1, s30  }
0x1b0: {  	p0 =	sne.s32 s1, s31  }
.Ltmp4:
0x1b1: {  	_ = 	snop;
	(pc) =	sbr.rel @p0 .LBB2_1-.Ltmp4, $3  }
0x1b2: {  	_ =	sdelay $0x1  }
0x1b3: {  	[sflag:s5] =	ssyncset.done $0x0  }
0x1b4: {  	[sflag:s5] =	ssyncadd.s32 $0xFFFF8000  }
0x1b5: {  	_ =	sfence.sel $0x180000  }
0x1b6: {  	[bflag:$0x0] =	sbarrier.arrive $0xFFFF  }
0x1b7: {  	_ =	strace $0x90000047  }
0x1b8: {  	s0 =	stileid.u32;
	[bflag:$0x2] =	sbarrier.arrive $0xFFFF  }
0x1b9: {  	p0 =	sne.s32 s0, $0x0;
	s0 =	rddreg [dreg:$0x3]  }
0x1ba: {  	s0 =	sadd.s32 @!p0 $0x100000, s0  }
0x1bb: {  	[sflag:s0] =	ssyncadd.tile.s32 @!p0 $0x1;
	_ =	shalt  }
.Lfunc_end2:
_tile_overlayer_lowered:
.L_overlay_start_2:
0x1bc: {  	(tag) =	ssettag $0x2  }
0x1bd: {  	s0 =	rddreg [dreg:$0x0];
	s2 =	stileid.u32  }
0x1be: {  	s1 =	rddreg [dreg:$0x1];
	p0 =	sne.s32 s2, $0x0  }
0x1bf: {  	s3 =	rddreg [dreg:$0x2];
	[bflag:$0x3] =	sbarrier.arrive $0xFFFF;
	s2 =	simm.s32 @!p0 $0x1C03  }
0x1c0: {  	[timem:s3], [sflag:s2] =	dma.local @!p0 [hbm:s0], s1  }
0x1c1: {  	s0 =	simm.s32 @!p0 $0x3  }
0x1c2: {  	_ =	swait.ge @!p0 [sflag:s0], s1  }
0x1c3: {  	s1 =	ssub.s32 @!p0 $0x0, s1;
	[sflag:s0] =	ssyncset.done @!p0 $0x0  }
0x1c4: {  	[sflag:s0] =	ssyncadd.s32 @!p0 s1  }
0x1c5: {  	[bflag:$0x3] =	sbarrier.arrive $0xFFFF  }
0x1c6: {  	_ =	shalt  }

</sc_bundles>
